<compile_context>
chip_gen: v7x
topology: tpu7x:2x2x1
jax: 0.10.2.dev20260603
libtpu: 0.0.44.dev20260713+nightly
codegen_flags: <defaults>
</compile_context>

<pallas_src>
import functools

import jax
import jax.numpy as jnp
from jax import lax
from jax.experimental import pallas as pl
from jax.experimental.pallas import tpu as pltpu
from jax.experimental.pallas import tpu_sc as plsc

_BASE = 10000
_NC = 2
_NS = 16
_NW = _NC * _NS
_L = 16


def _lane_swap(x, idx2d):
    return lax.gather(
        x, idx2d,
        lax.GatherDimensionNumbers(
            offset_dims=(), collapsed_slice_dims=(0,), start_index_map=(0,)),
        slice_sizes=(1,),
        mode=lax.GatherScatterMode.PROMISE_IN_BOUNDS)


def _rope_coeffs(seq_len: int, dim: int):
    freqs = 1.0 / (_BASE ** (jnp.arange(0, dim, 2, dtype=jnp.float32) / dim))
    ang = jnp.outer(jnp.arange(seq_len, dtype=jnp.float32), freqs)
    cos = jnp.cos(ang)
    sin = jnp.sin(ang)
    a = jnp.stack([cos, cos], axis=-1).reshape(seq_len, dim)
    b = jnp.stack([-sin, sin], axis=-1).reshape(seq_len, dim)
    return a, b


def _make_sc_kernel(bsz: int, seq_len: int, dim: int):
    assert bsz % (_NW * 128) == 0 or bsz // _NW == 128
    bpw = bsz // _NW
    assert bpw == 128 and dim % (2 * _L) == 0
    dh = dim // 8
    bh = bsz // 128
    mesh = plsc.VectorSubcoreMesh(core_axis_name="c", subcore_axis_name="s")

    @functools.partial(
        pl.kernel,
        mesh=mesh,
        out_type=jax.ShapeDtypeStruct((seq_len, dh, bh, 8, 128), jnp.float32),
        compiler_params=pltpu.CompilerParams(
            use_tc_tiling_on_sc=False, needs_layout_passes=False),
        scratch_types=[
            pltpu.VMEM((seq_len, dim), jnp.float32),
            pltpu.VMEM((seq_len, dim), jnp.float32),
            pltpu.VMEM((seq_len, bpw), jnp.int32),
            pltpu.VMEM((bpw, dim), jnp.float32),
            pltpu.VMEM((bpw, dim), jnp.float32),
            pltpu.VMEM((dh, 8, 129), jnp.float32),
            pltpu.VMEM((dh, 8, 129), jnp.float32),
            pltpu.SemaphoreType.DMA,
            pltpu.SemaphoreType.DMA,
            pltpu.SemaphoreType.DMA,
            pltpu.SemaphoreType.DMA,
        ],
    )
    def emb(table_hbm, ids_hbm, a_hbm, b_hbm, out_hbm,
            a_v, b_v, ids_v, x0, x1, o0, o1, gs0, gs1, ss0, ss1):
        wid = lax.axis_index("s") * _NC + lax.axis_index("c")
        pltpu.sync_copy(ids_hbm.at[wid], ids_v)
        pltpu.sync_copy(a_hbm, a_v)
        pltpu.sync_copy(b_hbm, b_v)
        iota = lax.iota(jnp.int32, _L)

        def start_gather(s, xbuf, sem):
            pltpu.async_copy(table_hbm.at[ids_v.at[s]], xbuf, sem)

        def wait_gather(s, xbuf, sem):
            pltpu.make_async_copy(table_hbm.at[ids_v.at[s]], xbuf, sem).wait()

        def start_store(s, obuf, sem):
            pltpu.async_copy(
                obuf.at[:, :, pl.ds(0, 128)], out_hbm.at[s, :, wid], sem)

        def wait_store(s, obuf, sem):
            pltpu.make_async_copy(
                obuf.at[:, :, pl.ds(0, 128)], out_hbm.at[s, :, wid], sem).wait()

        swap2d = (iota ^ 1).reshape(_L, 1)
        dh_vecs = [((j * _L) + iota) >> 3 for j in range(dim // _L)]
        dl_vecs = [((j * _L) + iota) & 7 for j in range(dim // _L)]

        def compute(s, xbuf, obuf):
            avs = [a_v[s, pl.ds(j * _L, _L)] for j in range(dim // _L)]
            bvs = [b_v[s, pl.ds(j * _L, _L)] for j in range(dim // _L)]

            @plsc.parallel_loop(0, bpw, 1, unroll=4)
            def row_body(r):
                rfull = jnp.full((_L,), r, jnp.int32)
                for j in range(dim // _L):
                    x = xbuf[r, pl.ds(j * _L, _L)]
                    xsw = _lane_swap(x, swap2d)
                    val = x * avs[j] + xsw * bvs[j]
                    plsc.store_scatter(obuf, [dh_vecs[j], dl_vecs[j], rfull], val)

        start_gather(0, x0, gs0)
        start_gather(1, x1, gs1)

        def half(qq, s, xbuf, obuf, gsem, ssem):
            wait_gather(s, xbuf, gsem)

            @pl.when(qq > 0)
            def _():
                wait_store(s - 2, obuf, ssem)

            compute(s, xbuf, obuf)
            start_store(s, obuf, ssem)

            @pl.when(s + 2 < seq_len)
            def _():
                start_gather(s + 2, xbuf, gsem)

        def pair_body(qq, carry):
            half(qq, 2 * qq, x0, o0, gs0, ss0)
            half(qq, 2 * qq + 1, x1, o1, gs1, ss1)
            return carry

        lax.fori_loop(0, seq_len // 2, pair_body, 0, unroll=False)
        wait_store(seq_len - 2, o0, ss0)
        wait_store(seq_len - 1, o1, ss1)

    return emb


def kernel(token_ids, table):
    bsz, seq_len = token_ids.shape
    vocab, dim = table.shape
    ids = token_ids.reshape(_NW, bsz // _NW, seq_len).transpose(0, 2, 1)
    ids = ids.astype(jnp.int32)
    a, b = _rope_coeffs(seq_len, dim)
    out5 = _make_sc_kernel(bsz, seq_len, dim)(table, ids, a, b)
    return out5.transpose(2, 4, 0, 1, 3).reshape(bsz, seq_len, dim)

# --- scband reference (transcript-rebuilt; emitter-appended) ---
"""Pipeline reference for scband-token-embedding-28810640621787 (READ-ONLY COPY).

The authoritative reference and input builder live on the scoring server;
editing this copy changes nothing except your own understanding.
"""

import jax, jax.numpy as jnp
import numpy as np

VOCAB = 1000000
EMBED_DIM = 64
BASE = 10000
BATCH = 4096
SEQ = 200


def setup_inputs(seed: int = 0) -> dict:
    key = jax.random.key(seed)
    k1, k2 = jax.random.split(key)
    token_ids = jax.random.randint(k1, (BATCH, SEQ), 0, VOCAB)
    table = jax.random.normal(k2, (VOCAB, EMBED_DIM), dtype=jnp.float32)
    return {"token_ids": token_ids, "table": table}


def reference(token_ids, table):
    # embedding lookup (gather)
    x = jnp.take(table, token_ids, axis=0)  # [B, S, D]
    seq_len = x.shape[1]
    # RoPE frequencies (matches precomputed-cache branch: cached[:seq_len])
    frequencies = 1.0 / (BASE ** (jnp.arange(0, EMBED_DIM, 2, dtype=jnp.float32) / EMBED_DIM))
    pos = jnp.arange(seq_len, dtype=jnp.float32)
    freqs = jnp.outer(pos, frequencies)  # [S, D/2]
    cos = jnp.cos(freqs)
    sin = jnp.sin(freqs)
    x_rot = x[..., ::2]
    x_pass = x[..., 1::2]
    out = jnp.stack([x_rot * cos - x_pass * sin, x_rot * sin + x_pass * cos], axis=-1)
    out = out.reshape(out.shape[0], out.shape[1], -1)
    return out

if __name__ == "__main__":
    import jax
    _d = setup_inputs()
    print(jax.jit(kernel)(*tuple(_d.values())))

</pallas_src>

<mosaic_0001>
#map = affine_map<(d0, d1) -> (0, 0)>
#map1 = affine_map<(d0, d1) -> (0, 0, 0)>
#map2 = affine_map<(d0, d1) -> (0, 0, 0, 0, 0)>
module attributes {stable_mosaic.version = 14 : i64} {
  func.func @emb(%arg0: i32, %arg1: i32, %arg2: memref<1000000x64xf32, #tpu.memory_space<hbm>>, %arg3: memref<32x200x128xi32, #tpu.memory_space<hbm>>, %arg4: memref<200x64xf32, #tpu.memory_space<hbm>>, %arg5: memref<200x64xf32, #tpu.memory_space<hbm>>, %arg6: memref<200x8x32x8x128xf32, #tpu.memory_space<hbm>>, %arg7: memref<200x64xf32, #tpu.memory_space<vmem>>, %arg8: memref<200x64xf32, #tpu.memory_space<vmem>>, %arg9: memref<200x128xi32, #tpu.memory_space<vmem>>, %arg10: memref<128x64xf32, #tpu.memory_space<vmem>>, %arg11: memref<128x64xf32, #tpu.memory_space<vmem>>, %arg12: memref<8x8x129xf32, #tpu.memory_space<vmem>>, %arg13: memref<8x8x129xf32, #tpu.memory_space<vmem>>, %arg14: memref<!tpu.dma_semaphore, #tpu.memory_space<semaphore_mem>>, %arg15: memref<!tpu.dma_semaphore, #tpu.memory_space<semaphore_mem>>, %arg16: memref<!tpu.dma_semaphore, #tpu.memory_space<semaphore_mem>>, %arg17: memref<!tpu.dma_semaphore, #tpu.memory_space<semaphore_mem>>) attributes {dimension_semantics = [#tpu.dimension_semantics<core_parallel>, #tpu.dimension_semantics<subcore_parallel>], iteration_bounds = array<i64: 2, 16>, scalar_prefetch = 0 : i64, scratch_operands = 11 : i64, tpu.core_type = #tpu.core_type<sc_vector_subcore>, window_params = [{transform_indices = #map}, {transform_indices = #map1}, {transform_indices = #map}, {transform_indices = #map}, {transform_indices = #map2}]} {
    %mul3A = arith.constant 2 : i32
    %mul3A_0 = arith.muli %arg1, %mul3A : i32
    %add3A = arith.addi %mul3A_0, %arg0 : i32
    "tpu.region"() ({
      %run_scoped3A = tpu.sem_alloc : memref<!tpu.dma_semaphore, #tpu.memory_space<semaphore_mem>>
      %dma_start3A_104 = arith.constant 0 : i32
      %dma_start3A_105 = arith.constant 0 : i32
      %dma_start3A_106 = tpu.memref_slice %arg3[%add3A, %dma_start3A_104, %dma_start3A_105] : memref<32x200x128xi32, #tpu.memory_space<hbm>> -> memref<1x200x128xi32, #tpu.memory_space<hbm>>
      %dma_start3A_107 = tpu.memref_squeeze %dma_start3A_106 : memref<1x200x128xi32, #tpu.memory_space<hbm>> -> memref<200x128xi32, #tpu.memory_space<hbm>>
      %dma_start3A_108 = arith.constant 0 : i32
      %dma_start3A_109 = arith.constant 0 : i32
      %dma_start3A_110 = tpu.memref_slice %arg3[%add3A, %dma_start3A_108, %dma_start3A_109] : memref<32x200x128xi32, #tpu.memory_space<hbm>> -> memref<1x200x128xi32, #tpu.memory_space<hbm>>
      %dma_start3A_111 = tpu.memref_squeeze %dma_start3A_110 : memref<1x200x128xi32, #tpu.memory_space<hbm>> -> memref<200x128xi32, #tpu.memory_space<hbm>>
      tpu.enqueue_dma source(%dma_start3A_111 : memref<200x128xi32, #tpu.memory_space<hbm>>) target(%arg9 : memref<200x128xi32, #tpu.memory_space<vmem>>) target_semaphore(%run_scoped3A : memref<!tpu.dma_semaphore, #tpu.memory_space<semaphore_mem>>)
      %dma_wait3A_112 = arith.constant 0 : i32
      %dma_wait3A_113 = arith.constant 0 : i32
      %dma_wait3A_114 = tpu.memref_slice %arg3[%add3A, %dma_wait3A_112, %dma_wait3A_113] : memref<32x200x128xi32, #tpu.memory_space<hbm>> -> memref<1x200x128xi32, #tpu.memory_space<hbm>>
      %dma_wait3A_115 = tpu.memref_squeeze %dma_wait3A_114 : memref<1x200x128xi32, #tpu.memory_space<hbm>> -> memref<200x128xi32, #tpu.memory_space<hbm>>
      %dma_wait3A_116 = arith.constant 0 : i32
      %dma_wait3A_117 = arith.constant 0 : i32
      %dma_wait3A_118 = tpu.memref_slice %arg3[%add3A, %dma_wait3A_116, %dma_wait3A_117] : memref<32x200x128xi32, #tpu.memory_space<hbm>> -> memref<1x200x128xi32, #tpu.memory_space<hbm>>
      %dma_wait3A_119 = tpu.memref_squeeze %dma_wait3A_118 : memref<1x200x128xi32, #tpu.memory_space<hbm>> -> memref<200x128xi32, #tpu.memory_space<hbm>>
      tpu.wait_dma2 semaphore(%run_scoped3A : memref<!tpu.dma_semaphore, #tpu.memory_space<semaphore_mem>>) src(%dma_wait3A_119 : memref<200x128xi32, #tpu.memory_space<hbm>>) dst(%arg9 : memref<200x128xi32, #tpu.memory_space<vmem>>)
      tpu.yield
    }) : () -> ()
    "tpu.region"() ({
      %run_scoped3A = tpu.sem_alloc : memref<!tpu.dma_semaphore, #tpu.memory_space<semaphore_mem>>
      tpu.enqueue_dma source(%arg4 : memref<200x64xf32, #tpu.memory_space<hbm>>) target(%arg7 : memref<200x64xf32, #tpu.memory_space<vmem>>) target_semaphore(%run_scoped3A : memref<!tpu.dma_semaphore, #tpu.memory_space<semaphore_mem>>)
      tpu.wait_dma2 semaphore(%run_scoped3A : memref<!tpu.dma_semaphore, #tpu.memory_space<semaphore_mem>>) src(%arg4 : memref<200x64xf32, #tpu.memory_space<hbm>>) dst(%arg7 : memref<200x64xf32, #tpu.memory_space<vmem>>)
      tpu.yield
    }) : () -> ()
    "tpu.region"() ({
      %run_scoped3A = tpu.sem_alloc : memref<!tpu.dma_semaphore, #tpu.memory_space<semaphore_mem>>
      tpu.enqueue_dma source(%arg5 : memref<200x64xf32, #tpu.memory_space<hbm>>) target(%arg8 : memref<200x64xf32, #tpu.memory_space<vmem>>) target_semaphore(%run_scoped3A : memref<!tpu.dma_semaphore, #tpu.memory_space<semaphore_mem>>)
      tpu.wait_dma2 semaphore(%run_scoped3A : memref<!tpu.dma_semaphore, #tpu.memory_space<semaphore_mem>>) src(%arg5 : memref<200x64xf32, #tpu.memory_space<hbm>>) dst(%arg8 : memref<200x64xf32, #tpu.memory_space<vmem>>)
      tpu.yield
    }) : () -> ()
    %iota3A = tpu.iota {dimensions = array<i32: 0>} : vector<16xi32>
    %xor3A = arith.constant 1 : i32
    %xor3A_1 = vector.broadcast %xor3A : i32 to vector<16xi32>
    %xor3A_2 = arith.xori %iota3A, %xor3A_1 : vector<16xi32>
    %reshape3A = vector.shape_cast %xor3A_2 : vector<16xi32> to vector<16x1xi32>
    %add3A_3 = arith.constant 0 : i32
    %add3A_4 = vector.broadcast %add3A_3 : i32 to vector<16xi32>
    %add3A_5 = arith.addi %add3A_4, %iota3A : vector<16xi32>
    %shift_right_arithmetic3A = arith.constant 3 : i32
    %shift_right_arithmetic3A_6 = vector.broadcast %shift_right_arithmetic3A : i32 to vector<16xi32>
    %shift_right_arithmetic3A_7 = arith.shrsi %add3A_5, %shift_right_arithmetic3A_6 : vector<16xi32>
    %add3A_8 = arith.constant 16 : i32
    %add3A_9 = vector.broadcast %add3A_8 : i32 to vector<16xi32>
    %add3A_10 = arith.addi %add3A_9, %iota3A : vector<16xi32>
    %shift_right_arithmetic3A_11 = arith.constant 3 : i32
    %shift_right_arithmetic3A_12 = vector.broadcast %shift_right_arithmetic3A_11 : i32 to vector<16xi32>
    %shift_right_arithmetic3A_13 = arith.shrsi %add3A_10, %shift_right_arithmetic3A_12 : vector<16xi32>
    %add3A_14 = arith.constant 32 : i32
    %add3A_15 = vector.broadcast %add3A_14 : i32 to vector<16xi32>
    %add3A_16 = arith.addi %add3A_15, %iota3A : vector<16xi32>
    %shift_right_arithmetic3A_17 = arith.constant 3 : i32
    %shift_right_arithmetic3A_18 = vector.broadcast %shift_right_arithmetic3A_17 : i32 to vector<16xi32>
    %shift_right_arithmetic3A_19 = arith.shrsi %add3A_16, %shift_right_arithmetic3A_18 : vector<16xi32>
    %add3A_20 = arith.constant 48 : i32
    %add3A_21 = vector.broadcast %add3A_20 : i32 to vector<16xi32>
    %add3A_22 = arith.addi %add3A_21, %iota3A : vector<16xi32>
    %shift_right_arithmetic3A_23 = arith.constant 3 : i32
    %shift_right_arithmetic3A_24 = vector.broadcast %shift_right_arithmetic3A_23 : i32 to vector<16xi32>
    %shift_right_arithmetic3A_25 = arith.shrsi %add3A_22, %shift_right_arithmetic3A_24 : vector<16xi32>
    %add3A_26 = arith.constant 0 : i32
    %add3A_27 = vector.broadcast %add3A_26 : i32 to vector<16xi32>
    %add3A_28 = arith.addi %add3A_27, %iota3A : vector<16xi32>
    %and3A = arith.constant 7 : i32
    %and3A_29 = vector.broadcast %and3A : i32 to vector<16xi32>
    %and3A_30 = arith.andi %add3A_28, %and3A_29 : vector<16xi32>
    %add3A_31 = arith.constant 16 : i32
    %add3A_32 = vector.broadcast %add3A_31 : i32 to vector<16xi32>
    %add3A_33 = arith.addi %add3A_32, %iota3A : vector<16xi32>
    %and3A_34 = arith.constant 7 : i32
    %and3A_35 = vector.broadcast %and3A_34 : i32 to vector<16xi32>
    %and3A_36 = arith.andi %add3A_33, %and3A_35 : vector<16xi32>
    %add3A_37 = arith.constant 32 : i32
    %add3A_38 = vector.broadcast %add3A_37 : i32 to vector<16xi32>
    %add3A_39 = arith.addi %add3A_38, %iota3A : vector<16xi32>
    %and3A_40 = arith.constant 7 : i32
    %and3A_41 = vector.broadcast %and3A_40 : i32 to vector<16xi32>
    %and3A_42 = arith.andi %add3A_39, %and3A_41 : vector<16xi32>
    %add3A_43 = arith.constant 48 : i32
    %add3A_44 = vector.broadcast %add3A_43 : i32 to vector<16xi32>
    %add3A_45 = arith.addi %add3A_44, %iota3A : vector<16xi32>
    %and3A_46 = arith.constant 7 : i32
    %and3A_47 = vector.broadcast %and3A_46 : i32 to vector<16xi32>
    %and3A_48 = arith.andi %add3A_45, %and3A_47 : vector<16xi32>
    %dma_start3A = arith.constant 0 : i32
    %dma_start3A_49 = arith.constant 0 : i32
    %dma_start3A_50 = tpu.memref_slice %arg9[%dma_start3A, %dma_start3A_49] : memref<200x128xi32, #tpu.memory_space<vmem>> -> memref<1x128xi32, #tpu.memory_space<vmem>>
    %dma_start3A_51 = tpu.memref_squeeze %dma_start3A_50 : memref<1x128xi32, #tpu.memory_space<vmem>> -> memref<128xi32, #tpu.memory_space<vmem>>
    %dma_start3A_52 = arith.constant 0 : i32
    %dma_start3A_53 = arith.constant 0 : i32
    %dma_start3A_54 = tpu.memref_slice %arg2[%dma_start3A_52, %dma_start3A_53] : memref<1000000x64xf32, #tpu.memory_space<hbm>> -> memref<1000000x64xf32, #tpu.memory_space<hbm>>
    tpu.enqueue_indirect_dma source(%dma_start3A_54 : memref<1000000x64xf32, #tpu.memory_space<hbm>>) target(%arg10 : memref<128x64xf32, #tpu.memory_space<vmem>>) offsets(%dma_start3A_51 : memref<128xi32, #tpu.memory_space<vmem>>) semaphore(%arg14 : memref<!tpu.dma_semaphore, #tpu.memory_space<semaphore_mem>>)
    %dma_start3A_55 = arith.constant 1 : i32
    %dma_start3A_56 = arith.constant 0 : i32
    %dma_start3A_57 = tpu.memref_slice %arg9[%dma_start3A_55, %dma_start3A_56] : memref<200x128xi32, #tpu.memory_space<vmem>> -> memref<1x128xi32, #tpu.memory_space<vmem>>
    %dma_start3A_58 = tpu.memref_squeeze %dma_start3A_57 : memref<1x128xi32, #tpu.memory_space<vmem>> -> memref<128xi32, #tpu.memory_space<vmem>>
    %dma_start3A_59 = arith.constant 0 : i32
    %dma_start3A_60 = arith.constant 0 : i32
    %dma_start3A_61 = tpu.memref_slice %arg2[%dma_start3A_59, %dma_start3A_60] : memref<1000000x64xf32, #tpu.memory_space<hbm>> -> memref<1000000x64xf32, #tpu.memory_space<hbm>>
    tpu.enqueue_indirect_dma source(%dma_start3A_61 : memref<1000000x64xf32, #tpu.memory_space<hbm>>) target(%arg11 : memref<128x64xf32, #tpu.memory_space<vmem>>) offsets(%dma_start3A_58 : memref<128xi32, #tpu.memory_space<vmem>>) semaphore(%arg15 : memref<!tpu.dma_semaphore, #tpu.memory_space<semaphore_mem>>)
    %scan3A = arith.constant 0 : i32
    %scan3A_62 = arith.constant 0 : i32
    %scan3A_63 = arith.constant 100 : i32
    %scan3A_64 = arith.addi %scan3A_62, %scan3A_63 : i32
    %scan3A_65 = arith.constant 1 : i32
    scf.for %scan3A_104 = %scan3A_62 to %scan3A_64 step %scan3A_65  : i32 {
      %mul3A_105 = arith.constant 2 : i32
      %mul3A_106 = arith.muli %mul3A_105, %scan3A_104 : i32
      %dma_wait3A_107 = arith.constant 0 : i32
      %dma_wait3A_108 = tpu.memref_slice %arg9[%mul3A_106, %dma_wait3A_107] : memref<200x128xi32, #tpu.memory_space<vmem>> -> memref<1x128xi32, #tpu.memory_space<vmem>>
      %dma_wait3A_109 = tpu.memref_squeeze %dma_wait3A_108 : memref<1x128xi32, #tpu.memory_space<vmem>> -> memref<128xi32, #tpu.memory_space<vmem>>
      %dma_wait3A_110 = arith.constant 0 : i32
      %dma_wait3A_111 = arith.constant 0 : i32
      %dma_wait3A_112 = tpu.memref_slice %arg2[%dma_wait3A_110, %dma_wait3A_111] : memref<1000000x64xf32, #tpu.memory_space<hbm>> -> memref<1000000x64xf32, #tpu.memory_space<hbm>>
      tpu.wait_indirect_dma semaphore(%arg14 : memref<!tpu.dma_semaphore, #tpu.memory_space<semaphore_mem>>) src(%dma_wait3A_112 : memref<1000000x64xf32, #tpu.memory_space<hbm>>) dst(%arg10 : memref<128x64xf32, #tpu.memory_space<vmem>>)
      %gt3A = arith.constant 0 : i32
      %gt3A_113 = arith.cmpi sgt, %scan3A_104, %gt3A : i32
      %convert_element_type3A = arith.extui %gt3A_113 : i1 to i32
      %cond3A = arith.constant 0 : i32
      %cond3A_114 = arith.cmpi ne, %convert_element_type3A, %cond3A : i32
      scf.if %cond3A_114 {
        %sub3A = arith.constant 2 : i32
        %sub3A_231 = arith.subi %mul3A_106, %sub3A : i32
        %dma_wait3A_232 = arith.constant 0 : i32
        %dma_wait3A_233 = arith.constant 0 : i32
        %dma_wait3A_234 = arith.constant 0 : i32
        %dma_wait3A_235 = tpu.memref_slice %arg12[%dma_wait3A_232, %dma_wait3A_233, %dma_wait3A_234] : memref<8x8x129xf32, #tpu.memory_space<vmem>> -> memref<8x8x128xf32, #tpu.memory_space<vmem>>
        %dma_wait3A_236 = arith.constant 0 : i32
        %dma_wait3A_237 = arith.constant 0 : i32
        %dma_wait3A_238 = arith.constant 0 : i32
        %dma_wait3A_239 = tpu.memref_slice %arg6[%sub3A_231, %dma_wait3A_236, %add3A, %dma_wait3A_237, %dma_wait3A_238] : memref<200x8x32x8x128xf32, #tpu.memory_space<hbm>> -> memref<1x8x1x8x128xf32, #tpu.memory_space<hbm>>
        %dma_wait3A_240 = tpu.memref_squeeze %dma_wait3A_239 : memref<1x8x1x8x128xf32, #tpu.memory_space<hbm>> -> memref<8x8x128xf32, #tpu.memory_space<hbm>>
        %dma_wait3A_241 = arith.constant 0 : i32
        %dma_wait3A_242 = arith.constant 0 : i32
        %dma_wait3A_243 = arith.constant 0 : i32
        %dma_wait3A_244 = tpu.memref_slice %arg6[%sub3A_231, %dma_wait3A_241, %add3A, %dma_wait3A_242, %dma_wait3A_243] : memref<200x8x32x8x128xf32, #tpu.memory_space<hbm>> -> memref<1x8x1x8x128xf32, #tpu.memory_space<hbm>>
        %dma_wait3A_245 = tpu.memref_squeeze %dma_wait3A_244 : memref<1x8x1x8x128xf32, #tpu.memory_space<hbm>> -> memref<8x8x128xf32, #tpu.memory_space<hbm>>
        %dma_wait3A_246 = arith.constant 0 : i32
        %dma_wait3A_247 = arith.constant 0 : i32
        %dma_wait3A_248 = arith.constant 0 : i32
        %dma_wait3A_249 = tpu.memref_slice %arg12[%dma_wait3A_246, %dma_wait3A_247, %dma_wait3A_248] : memref<8x8x129xf32, #tpu.memory_space<vmem>> -> memref<8x8x128xf32, #tpu.memory_space<vmem>>
        tpu.wait_dma2 semaphore(%arg16 : memref<!tpu.dma_semaphore, #tpu.memory_space<semaphore_mem>>) src(%dma_wait3A_249 : memref<8x8x128xf32, #tpu.memory_space<vmem>>) dst(%dma_wait3A_245 : memref<8x8x128xf32, #tpu.memory_space<hbm>>)
      } else {
      }
      %get3A = arith.index_cast %mul3A_106 : i32 to index
      %get3A_115 = arith.constant 0 : index
      %get3A_116 = tpu.vector_load %arg7[%get3A, %get3A_115] {strides = array<i32>} : memref<200x64xf32, #tpu.memory_space<vmem>>, vector<16xf32>,
      %get3A_117 = arith.index_cast %mul3A_106 : i32 to index
      %get3A_118 = arith.constant 16 : index
      %get3A_119 = tpu.vector_load %arg7[%get3A_117, %get3A_118] {strides = array<i32>} : memref<200x64xf32, #tpu.memory_space<vmem>>, vector<16xf32>,
      %get3A_120 = arith.index_cast %mul3A_106 : i32 to index
      %get3A_121 = arith.constant 32 : index
      %get3A_122 = tpu.vector_load %arg7[%get3A_120, %get3A_121] {strides = array<i32>} : memref<200x64xf32, #tpu.memory_space<vmem>>, vector<16xf32>,
      %get3A_123 = arith.index_cast %mul3A_106 : i32 to index
      %get3A_124 = arith.constant 48 : index
      %get3A_125 = tpu.vector_load %arg7[%get3A_123, %get3A_124] {strides = array<i32>} : memref<200x64xf32, #tpu.memory_space<vmem>>, vector<16xf32>,
      %get3A_126 = arith.index_cast %mul3A_106 : i32 to index
      %get3A_127 = arith.constant 0 : index
      %get3A_128 = tpu.vector_load %arg8[%get3A_126, %get3A_127] {strides = array<i32>} : memref<200x64xf32, #tpu.memory_space<vmem>>, vector<16xf32>,
      %get3A_129 = arith.index_cast %mul3A_106 : i32 to index
      %get3A_130 = arith.constant 16 : index
      %get3A_131 = tpu.vector_load %arg8[%get3A_129, %get3A_130] {strides = array<i32>} : memref<200x64xf32, #tpu.memory_space<vmem>>, vector<16xf32>,
      %get3A_132 = arith.index_cast %mul3A_106 : i32 to index
      %get3A_133 = arith.constant 32 : index
      %get3A_134 = tpu.vector_load %arg8[%get3A_132, %get3A_133] {strides = array<i32>} : memref<200x64xf32, #tpu.memory_space<vmem>>, vector<16xf32>,
      %get3A_135 = arith.index_cast %mul3A_106 : i32 to index
      %get3A_136 = arith.constant 48 : index
      %get3A_137 = tpu.vector_load %arg8[%get3A_135, %get3A_136] {strides = array<i32>} : memref<200x64xf32, #tpu.memory_space<vmem>>, vector<16xf32>,
      %parallel_loop3A = arith.constant 0 : i32
      %parallel_loop3A_138 = arith.constant 128 : i32
      %parallel_loop3A_139 = arith.constant 1 : i32
      scf.for %parallel_loop3A_231 = %parallel_loop3A to %parallel_loop3A_138 step %parallel_loop3A_139  : i32 {
        %parallel_loop3A_232 = vector.broadcast %parallel_loop3A_231 : i32 to vector<16xi32>
        %parallel_loop3A_233 = arith.index_cast %parallel_loop3A_231 : i32 to index
        %parallel_loop3A_234 = arith.constant 0 : index
        %parallel_loop3A_235 = tpu.vector_load %arg10[%parallel_loop3A_233, %parallel_loop3A_234] {strides = array<i32>} : memref<128x64xf32, #tpu.memory_space<vmem>>, vector<16xf32>,
        %parallel_loop3A_236 = vector.shape_cast %reshape3A : vector<16x1xi32> to vector<16xi32>
        %parallel_loop3A_237 = tpu.dynamic_gather %parallel_loop3A_235[%parallel_loop3A_236] in [0] : vector<16xf32>, vector<16xi32> -> vector<16xf32>
        %parallel_loop3A_238 = arith.mulf %parallel_loop3A_235, %get3A_116 : vector<16xf32>
        %parallel_loop3A_239 = arith.mulf %parallel_loop3A_237, %get3A_128 : vector<16xf32>
        %parallel_loop3A_240 = arith.addf %parallel_loop3A_238, %parallel_loop3A_239 : vector<16xf32>
        tpu.vector_store_idx %arg12[%shift_right_arithmetic3A_7, %and3A_30, %parallel_loop3A_232], %parallel_loop3A_240 : memref<8x8x129xf32, #tpu.memory_space<vmem>>[vector<16xi32>, vector<16xi32>, vector<16xi32>], vector<16xf32>,
        %parallel_loop3A_241 = arith.index_cast %parallel_loop3A_231 : i32 to index
        %parallel_loop3A_242 = arith.constant 16 : index
        %parallel_loop3A_243 = tpu.vector_load %arg10[%parallel_loop3A_241, %parallel_loop3A_242] {strides = array<i32>} : memref<128x64xf32, #tpu.memory_space<vmem>>, vector<16xf32>,
        %parallel_loop3A_244 = vector.shape_cast %reshape3A : vector<16x1xi32> to vector<16xi32>
        %parallel_loop3A_245 = tpu.dynamic_gather %parallel_loop3A_243[%parallel_loop3A_244] in [0] : vector<16xf32>, vector<16xi32> -> vector<16xf32>
        %parallel_loop3A_246 = arith.mulf %parallel_loop3A_243, %get3A_119 : vector<16xf32>
        %parallel_loop3A_247 = arith.mulf %parallel_loop3A_245, %get3A_131 : vector<16xf32>
        %parallel_loop3A_248 = arith.addf %parallel_loop3A_246, %parallel_loop3A_247 : vector<16xf32>
        tpu.vector_store_idx %arg12[%shift_right_arithmetic3A_13, %and3A_36, %parallel_loop3A_232], %parallel_loop3A_248 : memref<8x8x129xf32, #tpu.memory_space<vmem>>[vector<16xi32>, vector<16xi32>, vector<16xi32>], vector<16xf32>,
        %parallel_loop3A_249 = arith.index_cast %parallel_loop3A_231 : i32 to index
        %parallel_loop3A_250 = arith.constant 32 : index
        %parallel_loop3A_251 = tpu.vector_load %arg10[%parallel_loop3A_249, %parallel_loop3A_250] {strides = array<i32>} : memref<128x64xf32, #tpu.memory_space<vmem>>, vector<16xf32>,
        %parallel_loop3A_252 = vector.shape_cast %reshape3A : vector<16x1xi32> to vector<16xi32>
        %parallel_loop3A_253 = tpu.dynamic_gather %parallel_loop3A_251[%parallel_loop3A_252] in [0] : vector<16xf32>, vector<16xi32> -> vector<16xf32>
        %parallel_loop3A_254 = arith.mulf %parallel_loop3A_251, %get3A_122 : vector<16xf32>
        %parallel_loop3A_255 = arith.mulf %parallel_loop3A_253, %get3A_134 : vector<16xf32>
        %parallel_loop3A_256 = arith.addf %parallel_loop3A_254, %parallel_loop3A_255 : vector<16xf32>
        tpu.vector_store_idx %arg12[%shift_right_arithmetic3A_19, %and3A_42, %parallel_loop3A_232], %parallel_loop3A_256 : memref<8x8x129xf32, #tpu.memory_space<vmem>>[vector<16xi32>, vector<16xi32>, vector<16xi32>], vector<16xf32>,
        %parallel_loop3A_257 = arith.index_cast %parallel_loop3A_231 : i32 to index
        %parallel_loop3A_258 = arith.constant 48 : index
        %parallel_loop3A_259 = tpu.vector_load %arg10[%parallel_loop3A_257, %parallel_loop3A_258] {strides = array<i32>} : memref<128x64xf32, #tpu.memory_space<vmem>>, vector<16xf32>,
        %parallel_loop3A_260 = vector.shape_cast %reshape3A : vector<16x1xi32> to vector<16xi32>
        %parallel_loop3A_261 = tpu.dynamic_gather %parallel_loop3A_259[%parallel_loop3A_260] in [0] : vector<16xf32>, vector<16xi32> -> vector<16xf32>
        %parallel_loop3A_262 = arith.mulf %parallel_loop3A_259, %get3A_125 : vector<16xf32>
        %parallel_loop3A_263 = arith.mulf %parallel_loop3A_261, %get3A_137 : vector<16xf32>
        %parallel_loop3A_264 = arith.addf %parallel_loop3A_262, %parallel_loop3A_263 : vector<16xf32>
        tpu.vector_store_idx %arg12[%shift_right_arithmetic3A_25, %and3A_48, %parallel_loop3A_232], %parallel_loop3A_264 : memref<8x8x129xf32, #tpu.memory_space<vmem>>[vector<16xi32>, vector<16xi32>, vector<16xi32>], vector<16xf32>,
      } {sc.loop_unroll_factor = 4 : i64, sc.parallel_access}
      %dma_start3A_140 = arith.constant 0 : i32
      %dma_start3A_141 = arith.constant 0 : i32
      %dma_start3A_142 = arith.constant 0 : i32
      %dma_start3A_143 = tpu.memref_slice %arg12[%dma_start3A_140, %dma_start3A_141, %dma_start3A_142] : memref<8x8x129xf32, #tpu.memory_space<vmem>> -> memref<8x8x128xf32, #tpu.memory_space<vmem>>
      %dma_start3A_144 = arith.constant 0 : i32
      %dma_start3A_145 = arith.constant 0 : i32
      %dma_start3A_146 = arith.constant 0 : i32
      %dma_start3A_147 = tpu.memref_slice %arg6[%mul3A_106, %dma_start3A_144, %add3A, %dma_start3A_145, %dma_start3A_146] : memref<200x8x32x8x128xf32, #tpu.memory_space<hbm>> -> memref<1x8x1x8x128xf32, #tpu.memory_space<hbm>>
      %dma_start3A_148 = tpu.memref_squeeze %dma_start3A_147 : memref<1x8x1x8x128xf32, #tpu.memory_space<hbm>> -> memref<8x8x128xf32, #tpu.memory_space<hbm>>
      %dma_start3A_149 = arith.constant 0 : i32
      %dma_start3A_150 = arith.constant 0 : i32
      %dma_start3A_151 = arith.constant 0 : i32
      %dma_start3A_152 = tpu.memref_slice %arg6[%mul3A_106, %dma_start3A_149, %add3A, %dma_start3A_150, %dma_start3A_151] : memref<200x8x32x8x128xf32, #tpu.memory_space<hbm>> -> memref<1x8x1x8x128xf32, #tpu.memory_space<hbm>>
      %dma_start3A_153 = tpu.memref_squeeze %dma_start3A_152 : memref<1x8x1x8x128xf32, #tpu.memory_space<hbm>> -> memref<8x8x128xf32, #tpu.memory_space<hbm>>
      %dma_start3A_154 = arith.constant 0 : i32
      %dma_start3A_155 = arith.constant 0 : i32
      %dma_start3A_156 = arith.constant 0 : i32
      %dma_start3A_157 = tpu.memref_slice %arg12[%dma_start3A_154, %dma_start3A_155, %dma_start3A_156] : memref<8x8x129xf32, #tpu.memory_space<vmem>> -> memref<8x8x128xf32, #tpu.memory_space<vmem>>
      tpu.enqueue_dma source(%dma_start3A_157 : memref<8x8x128xf32, #tpu.memory_space<vmem>>) target(%dma_start3A_153 : memref<8x8x128xf32, #tpu.memory_space<hbm>>) target_semaphore(%arg16 : memref<!tpu.dma_semaphore, #tpu.memory_space<semaphore_mem>>)
      %add3A_158 = arith.constant 2 : i32
      %add3A_159 = arith.addi %mul3A_106, %add3A_158 : i32
      %lt3A = arith.constant 200 : i32
      %lt3A_160 = arith.cmpi slt, %add3A_159, %lt3A : i32
      %convert_element_type3A_161 = arith.extui %lt3A_160 : i1 to i32
      %cond3A_162 = arith.constant 0 : i32
      %cond3A_163 = arith.cmpi ne, %convert_element_type3A_161, %cond3A_162 : i32
      scf.if %cond3A_163 {
        %add3A_231 = arith.constant 2 : i32
        %add3A_232 = arith.addi %mul3A_106, %add3A_231 : i32
        %dma_start3A_233 = arith.constant 0 : i32
        %dma_start3A_234 = tpu.memref_slice %arg9[%add3A_232, %dma_start3A_233] : memref<200x128xi32, #tpu.memory_space<vmem>> -> memref<1x128xi32, #tpu.memory_space<vmem>>
        %dma_start3A_235 = tpu.memref_squeeze %dma_start3A_234 : memref<1x128xi32, #tpu.memory_space<vmem>> -> memref<128xi32, #tpu.memory_space<vmem>>
        %dma_start3A_236 = arith.constant 0 : i32
        %dma_start3A_237 = arith.constant 0 : i32
        %dma_start3A_238 = tpu.memref_slice %arg2[%dma_start3A_236, %dma_start3A_237] : memref<1000000x64xf32, #tpu.memory_space<hbm>> -> memref<1000000x64xf32, #tpu.memory_space<hbm>>
        tpu.enqueue_indirect_dma source(%dma_start3A_238 : memref<1000000x64xf32, #tpu.memory_space<hbm>>) target(%arg10 : memref<128x64xf32, #tpu.memory_space<vmem>>) offsets(%dma_start3A_235 : memref<128xi32, #tpu.memory_space<vmem>>) semaphore(%arg14 : memref<!tpu.dma_semaphore, #tpu.memory_space<semaphore_mem>>)
      } else {
      }
      %mul3A_164 = arith.constant 2 : i32
      %mul3A_165 = arith.muli %mul3A_164, %scan3A_104 : i32
      %add3A_166 = arith.constant 1 : i32
      %add3A_167 = arith.addi %mul3A_165, %add3A_166 : i32
      %dma_wait3A_168 = arith.constant 0 : i32
      %dma_wait3A_169 = tpu.memref_slice %arg9[%add3A_167, %dma_wait3A_168] : memref<200x128xi32, #tpu.memory_space<vmem>> -> memref<1x128xi32, #tpu.memory_space<vmem>>
      %dma_wait3A_170 = tpu.memref_squeeze %dma_wait3A_169 : memref<1x128xi32, #tpu.memory_space<vmem>> -> memref<128xi32, #tpu.memory_space<vmem>>
      %dma_wait3A_171 = arith.constant 0 : i32
      %dma_wait3A_172 = arith.constant 0 : i32
      %dma_wait3A_173 = tpu.memref_slice %arg2[%dma_wait3A_171, %dma_wait3A_172] : memref<1000000x64xf32, #tpu.memory_space<hbm>> -> memref<1000000x64xf32, #tpu.memory_space<hbm>>
      tpu.wait_indirect_dma semaphore(%arg15 : memref<!tpu.dma_semaphore, #tpu.memory_space<semaphore_mem>>) src(%dma_wait3A_173 : memref<1000000x64xf32, #tpu.memory_space<hbm>>) dst(%arg11 : memref<128x64xf32, #tpu.memory_space<vmem>>)
      %gt3A_174 = arith.constant 0 : i32
      %gt3A_175 = arith.cmpi sgt, %scan3A_104, %gt3A_174 : i32
      %convert_element_type3A_176 = arith.extui %gt3A_175 : i1 to i32
      %cond3A_177 = arith.constant 0 : i32
      %cond3A_178 = arith.cmpi ne, %convert_element_type3A_176, %cond3A_177 : i32
      scf.if %cond3A_178 {
        %sub3A = arith.constant 2 : i32
        %sub3A_231 = arith.subi %add3A_167, %sub3A : i32
        %dma_wait3A_232 = arith.constant 0 : i32
        %dma_wait3A_233 = arith.constant 0 : i32
        %dma_wait3A_234 = arith.constant 0 : i32
        %dma_wait3A_235 = tpu.memref_slice %arg13[%dma_wait3A_232, %dma_wait3A_233, %dma_wait3A_234] : memref<8x8x129xf32, #tpu.memory_space<vmem>> -> memref<8x8x128xf32, #tpu.memory_space<vmem>>
        %dma_wait3A_236 = arith.constant 0 : i32
        %dma_wait3A_237 = arith.constant 0 : i32
        %dma_wait3A_238 = arith.constant 0 : i32
        %dma_wait3A_239 = tpu.memref_slice %arg6[%sub3A_231, %dma_wait3A_236, %add3A, %dma_wait3A_237, %dma_wait3A_238] : memref<200x8x32x8x128xf32, #tpu.memory_space<hbm>> -> memref<1x8x1x8x128xf32, #tpu.memory_space<hbm>>
        %dma_wait3A_240 = tpu.memref_squeeze %dma_wait3A_239 : memref<1x8x1x8x128xf32, #tpu.memory_space<hbm>> -> memref<8x8x128xf32, #tpu.memory_space<hbm>>
        %dma_wait3A_241 = arith.constant 0 : i32
        %dma_wait3A_242 = arith.constant 0 : i32
        %dma_wait3A_243 = arith.constant 0 : i32
        %dma_wait3A_244 = tpu.memref_slice %arg6[%sub3A_231, %dma_wait3A_241, %add3A, %dma_wait3A_242, %dma_wait3A_243] : memref<200x8x32x8x128xf32, #tpu.memory_space<hbm>> -> memref<1x8x1x8x128xf32, #tpu.memory_space<hbm>>
        %dma_wait3A_245 = tpu.memref_squeeze %dma_wait3A_244 : memref<1x8x1x8x128xf32, #tpu.memory_space<hbm>> -> memref<8x8x128xf32, #tpu.memory_space<hbm>>
        %dma_wait3A_246 = arith.constant 0 : i32
        %dma_wait3A_247 = arith.constant 0 : i32
        %dma_wait3A_248 = arith.constant 0 : i32
        %dma_wait3A_249 = tpu.memref_slice %arg13[%dma_wait3A_246, %dma_wait3A_247, %dma_wait3A_248] : memref<8x8x129xf32, #tpu.memory_space<vmem>> -> memref<8x8x128xf32, #tpu.memory_space<vmem>>
        tpu.wait_dma2 semaphore(%arg17 : memref<!tpu.dma_semaphore, #tpu.memory_space<semaphore_mem>>) src(%dma_wait3A_249 : memref<8x8x128xf32, #tpu.memory_space<vmem>>) dst(%dma_wait3A_245 : memref<8x8x128xf32, #tpu.memory_space<hbm>>)
      } else {
      }
      %get3A_179 = arith.index_cast %add3A_167 : i32 to index
      %get3A_180 = arith.constant 0 : index
      %get3A_181 = tpu.vector_load %arg7[%get3A_179, %get3A_180] {strides = array<i32>} : memref<200x64xf32, #tpu.memory_space<vmem>>, vector<16xf32>,
      %get3A_182 = arith.index_cast %add3A_167 : i32 to index
      %get3A_183 = arith.constant 16 : index
      %get3A_184 = tpu.vector_load %arg7[%get3A_182, %get3A_183] {strides = array<i32>} : memref<200x64xf32, #tpu.memory_space<vmem>>, vector<16xf32>,
      %get3A_185 = arith.index_cast %add3A_167 : i32 to index
      %get3A_186 = arith.constant 32 : index
      %get3A_187 = tpu.vector_load %arg7[%get3A_185, %get3A_186] {strides = array<i32>} : memref<200x64xf32, #tpu.memory_space<vmem>>, vector<16xf32>,
      %get3A_188 = arith.index_cast %add3A_167 : i32 to index
      %get3A_189 = arith.constant 48 : index
      %get3A_190 = tpu.vector_load %arg7[%get3A_188, %get3A_189] {strides = array<i32>} : memref<200x64xf32, #tpu.memory_space<vmem>>, vector<16xf32>,
      %get3A_191 = arith.index_cast %add3A_167 : i32 to index
      %get3A_192 = arith.constant 0 : index
      %get3A_193 = tpu.vector_load %arg8[%get3A_191, %get3A_192] {strides = array<i32>} : memref<200x64xf32, #tpu.memory_space<vmem>>, vector<16xf32>,
      %get3A_194 = arith.index_cast %add3A_167 : i32 to index
      %get3A_195 = arith.constant 16 : index
      %get3A_196 = tpu.vector_load %arg8[%get3A_194, %get3A_195] {strides = array<i32>} : memref<200x64xf32, #tpu.memory_space<vmem>>, vector<16xf32>,
      %get3A_197 = arith.index_cast %add3A_167 : i32 to index
      %get3A_198 = arith.constant 32 : index
      %get3A_199 = tpu.vector_load %arg8[%get3A_197, %get3A_198] {strides = array<i32>} : memref<200x64xf32, #tpu.memory_space<vmem>>, vector<16xf32>,
      %get3A_200 = arith.index_cast %add3A_167 : i32 to index
      %get3A_201 = arith.constant 48 : index
      %get3A_202 = tpu.vector_load %arg8[%get3A_200, %get3A_201] {strides = array<i32>} : memref<200x64xf32, #tpu.memory_space<vmem>>, vector<16xf32>,
      %parallel_loop3A_203 = arith.constant 0 : i32
      %parallel_loop3A_204 = arith.constant 128 : i32
      %parallel_loop3A_205 = arith.constant 1 : i32
      scf.for %parallel_loop3A_231 = %parallel_loop3A_203 to %parallel_loop3A_204 step %parallel_loop3A_205  : i32 {
        %parallel_loop3A_232 = vector.broadcast %parallel_loop3A_231 : i32 to vector<16xi32>
        %parallel_loop3A_233 = arith.index_cast %parallel_loop3A_231 : i32 to index
        %parallel_loop3A_234 = arith.constant 0 : index
        %parallel_loop3A_235 = tpu.vector_load %arg11[%parallel_loop3A_233, %parallel_loop3A_234] {strides = array<i32>} : memref<128x64xf32, #tpu.memory_space<vmem>>, vector<16xf32>,
        %parallel_loop3A_236 = vector.shape_cast %reshape3A : vector<16x1xi32> to vector<16xi32>
        %parallel_loop3A_237 = tpu.dynamic_gather %parallel_loop3A_235[%parallel_loop3A_236] in [0] : vector<16xf32>, vector<16xi32> -> vector<16xf32>
        %parallel_loop3A_238 = arith.mulf %parallel_loop3A_235, %get3A_181 : vector<16xf32>
        %parallel_loop3A_239 = arith.mulf %parallel_loop3A_237, %get3A_193 : vector<16xf32>
        %parallel_loop3A_240 = arith.addf %parallel_loop3A_238, %parallel_loop3A_239 : vector<16xf32>
        tpu.vector_store_idx %arg13[%shift_right_arithmetic3A_7, %and3A_30, %parallel_loop3A_232], %parallel_loop3A_240 : memref<8x8x129xf32, #tpu.memory_space<vmem>>[vector<16xi32>, vector<16xi32>, vector<16xi32>], vector<16xf32>,
        %parallel_loop3A_241 = arith.index_cast %parallel_loop3A_231 : i32 to index
        %parallel_loop3A_242 = arith.constant 16 : index
        %parallel_loop3A_243 = tpu.vector_load %arg11[%parallel_loop3A_241, %parallel_loop3A_242] {strides = array<i32>} : memref<128x64xf32, #tpu.memory_space<vmem>>, vector<16xf32>,
        %parallel_loop3A_244 = vector.shape_cast %reshape3A : vector<16x1xi32> to vector<16xi32>
        %parallel_loop3A_245 = tpu.dynamic_gather %parallel_loop3A_243[%parallel_loop3A_244] in [0] : vector<16xf32>, vector<16xi32> -> vector<16xf32>
        %parallel_loop3A_246 = arith.mulf %parallel_loop3A_243, %get3A_184 : vector<16xf32>
        %parallel_loop3A_247 = arith.mulf %parallel_loop3A_245, %get3A_196 : vector<16xf32>
        %parallel_loop3A_248 = arith.addf %parallel_loop3A_246, %parallel_loop3A_247 : vector<16xf32>
        tpu.vector_store_idx %arg13[%shift_right_arithmetic3A_13, %and3A_36, %parallel_loop3A_232], %parallel_loop3A_248 : memref<8x8x129xf32, #tpu.memory_space<vmem>>[vector<16xi32>, vector<16xi32>, vector<16xi32>], vector<16xf32>,
        %parallel_loop3A_249 = arith.index_cast %parallel_loop3A_231 : i32 to index
        %parallel_loop3A_250 = arith.constant 32 : index
        %parallel_loop3A_251 = tpu.vector_load %arg11[%parallel_loop3A_249, %parallel_loop3A_250] {strides = array<i32>} : memref<128x64xf32, #tpu.memory_space<vmem>>, vector<16xf32>,
        %parallel_loop3A_252 = vector.shape_cast %reshape3A : vector<16x1xi32> to vector<16xi32>
        %parallel_loop3A_253 = tpu.dynamic_gather %parallel_loop3A_251[%parallel_loop3A_252] in [0] : vector<16xf32>, vector<16xi32> -> vector<16xf32>
        %parallel_loop3A_254 = arith.mulf %parallel_loop3A_251, %get3A_187 : vector<16xf32>
        %parallel_loop3A_255 = arith.mulf %parallel_loop3A_253, %get3A_199 : vector<16xf32>
        %parallel_loop3A_256 = arith.addf %parallel_loop3A_254, %parallel_loop3A_255 : vector<16xf32>
        tpu.vector_store_idx %arg13[%shift_right_arithmetic3A_19, %and3A_42, %parallel_loop3A_232], %parallel_loop3A_256 : memref<8x8x129xf32, #tpu.memory_space<vmem>>[vector<16xi32>, vector<16xi32>, vector<16xi32>], vector<16xf32>,
        %parallel_loop3A_257 = arith.index_cast %parallel_loop3A_231 : i32 to index
        %parallel_loop3A_258 = arith.constant 48 : index
        %parallel_loop3A_259 = tpu.vector_load %arg11[%parallel_loop3A_257, %parallel_loop3A_258] {strides = array<i32>} : memref<128x64xf32, #tpu.memory_space<vmem>>, vector<16xf32>,
        %parallel_loop3A_260 = vector.shape_cast %reshape3A : vector<16x1xi32> to vector<16xi32>
        %parallel_loop3A_261 = tpu.dynamic_gather %parallel_loop3A_259[%parallel_loop3A_260] in [0] : vector<16xf32>, vector<16xi32> -> vector<16xf32>
        %parallel_loop3A_262 = arith.mulf %parallel_loop3A_259, %get3A_190 : vector<16xf32>
        %parallel_loop3A_263 = arith.mulf %parallel_loop3A_261, %get3A_202 : vector<16xf32>
        %parallel_loop3A_264 = arith.addf %parallel_loop3A_262, %parallel_loop3A_263 : vector<16xf32>
        tpu.vector_store_idx %arg13[%shift_right_arithmetic3A_25, %and3A_48, %parallel_loop3A_232], %parallel_loop3A_264 : memref<8x8x129xf32, #tpu.memory_space<vmem>>[vector<16xi32>, vector<16xi32>, vector<16xi32>], vector<16xf32>,
      } {sc.loop_unroll_factor = 4 : i64, sc.parallel_access}
      %dma_start3A_206 = arith.constant 0 : i32
      %dma_start3A_207 = arith.constant 0 : i32
      %dma_start3A_208 = arith.constant 0 : i32
      %dma_start3A_209 = tpu.memref_slice %arg13[%dma_start3A_206, %dma_start3A_207, %dma_start3A_208] : memref<8x8x129xf32, #tpu.memory_space<vmem>> -> memref<8x8x128xf32, #tpu.memory_space<vmem>>
      %dma_start3A_210 = arith.constant 0 : i32
      %dma_start3A_211 = arith.constant 0 : i32
      %dma_start3A_212 = arith.constant 0 : i32
      %dma_start3A_213 = tpu.memref_slice %arg6[%add3A_167, %dma_start3A_210, %add3A, %dma_start3A_211, %dma_start3A_212] : memref<200x8x32x8x128xf32, #tpu.memory_space<hbm>> -> memref<1x8x1x8x128xf32, #tpu.memory_space<hbm>>
      %dma_start3A_214 = tpu.memref_squeeze %dma_start3A_213 : memref<1x8x1x8x128xf32, #tpu.memory_space<hbm>> -> memref<8x8x128xf32, #tpu.memory_space<hbm>>
      %dma_start3A_215 = arith.constant 0 : i32
      %dma_start3A_216 = arith.constant 0 : i32
      %dma_start3A_217 = arith.constant 0 : i32
      %dma_start3A_218 = tpu.memref_slice %arg6[%add3A_167, %dma_start3A_215, %add3A, %dma_start3A_216, %dma_start3A_217] : memref<200x8x32x8x128xf32, #tpu.memory_space<hbm>> -> memref<1x8x1x8x128xf32, #tpu.memory_space<hbm>>
      %dma_start3A_219 = tpu.memref_squeeze %dma_start3A_218 : memref<1x8x1x8x128xf32, #tpu.memory_space<hbm>> -> memref<8x8x128xf32, #tpu.memory_space<hbm>>
      %dma_start3A_220 = arith.constant 0 : i32
      %dma_start3A_221 = arith.constant 0 : i32
      %dma_start3A_222 = arith.constant 0 : i32
      %dma_start3A_223 = tpu.memref_slice %arg13[%dma_start3A_220, %dma_start3A_221, %dma_start3A_222] : memref<8x8x129xf32, #tpu.memory_space<vmem>> -> memref<8x8x128xf32, #tpu.memory_space<vmem>>
      tpu.enqueue_dma source(%dma_start3A_223 : memref<8x8x128xf32, #tpu.memory_space<vmem>>) target(%dma_start3A_219 : memref<8x8x128xf32, #tpu.memory_space<hbm>>) target_semaphore(%arg17 : memref<!tpu.dma_semaphore, #tpu.memory_space<semaphore_mem>>)
      %add3A_224 = arith.constant 2 : i32
      %add3A_225 = arith.addi %add3A_167, %add3A_224 : i32
      %lt3A_226 = arith.constant 200 : i32
      %lt3A_227 = arith.cmpi slt, %add3A_225, %lt3A_226 : i32
      %convert_element_type3A_228 = arith.extui %lt3A_227 : i1 to i32
      %cond3A_229 = arith.constant 0 : i32
      %cond3A_230 = arith.cmpi ne, %convert_element_type3A_228, %cond3A_229 : i32
      scf.if %cond3A_230 {
        %add3A_231 = arith.constant 2 : i32
        %add3A_232 = arith.addi %add3A_167, %add3A_231 : i32
        %dma_start3A_233 = arith.constant 0 : i32
        %dma_start3A_234 = tpu.memref_slice %arg9[%add3A_232, %dma_start3A_233] : memref<200x128xi32, #tpu.memory_space<vmem>> -> memref<1x128xi32, #tpu.memory_space<vmem>>
        %dma_start3A_235 = tpu.memref_squeeze %dma_start3A_234 : memref<1x128xi32, #tpu.memory_space<vmem>> -> memref<128xi32, #tpu.memory_space<vmem>>
        %dma_start3A_236 = arith.constant 0 : i32
        %dma_start3A_237 = arith.constant 0 : i32
        %dma_start3A_238 = tpu.memref_slice %arg2[%dma_start3A_236, %dma_start3A_237] : memref<1000000x64xf32, #tpu.memory_space<hbm>> -> memref<1000000x64xf32, #tpu.memory_space<hbm>>
        tpu.enqueue_indirect_dma source(%dma_start3A_238 : memref<1000000x64xf32, #tpu.memory_space<hbm>>) target(%arg11 : memref<128x64xf32, #tpu.memory_space<vmem>>) offsets(%dma_start3A_235 : memref<128xi32, #tpu.memory_space<vmem>>) semaphore(%arg15 : memref<!tpu.dma_semaphore, #tpu.memory_space<semaphore_mem>>)
      } else {
      }
    }
    %scan3A_66 = arith.constant 100 : i32
    %dma_wait3A = arith.constant 198 : i32
    %dma_wait3A_67 = arith.constant 0 : i32
    %dma_wait3A_68 = arith.constant 0 : i32
    %dma_wait3A_69 = arith.constant 0 : i32
    %dma_wait3A_70 = tpu.memref_slice %arg12[%dma_wait3A_67, %dma_wait3A_68, %dma_wait3A_69] : memref<8x8x129xf32, #tpu.memory_space<vmem>> -> memref<8x8x128xf32, #tpu.memory_space<vmem>>
    %dma_wait3A_71 = arith.constant 0 : i32
    %dma_wait3A_72 = arith.constant 0 : i32
    %dma_wait3A_73 = arith.constant 0 : i32
    %dma_wait3A_74 = tpu.memref_slice %arg6[%dma_wait3A, %dma_wait3A_71, %add3A, %dma_wait3A_72, %dma_wait3A_73] : memref<200x8x32x8x128xf32, #tpu.memory_space<hbm>> -> memref<1x8x1x8x128xf32, #tpu.memory_space<hbm>>
    %dma_wait3A_75 = tpu.memref_squeeze %dma_wait3A_74 : memref<1x8x1x8x128xf32, #tpu.memory_space<hbm>> -> memref<8x8x128xf32, #tpu.memory_space<hbm>>
    %dma_wait3A_76 = arith.constant 0 : i32
    %dma_wait3A_77 = arith.constant 0 : i32
    %dma_wait3A_78 = arith.constant 0 : i32
    %dma_wait3A_79 = tpu.memref_slice %arg6[%dma_wait3A, %dma_wait3A_76, %add3A, %dma_wait3A_77, %dma_wait3A_78] : memref<200x8x32x8x128xf32, #tpu.memory_space<hbm>> -> memref<1x8x1x8x128xf32, #tpu.memory_space<hbm>>
    %dma_wait3A_80 = tpu.memref_squeeze %dma_wait3A_79 : memref<1x8x1x8x128xf32, #tpu.memory_space<hbm>> -> memref<8x8x128xf32, #tpu.memory_space<hbm>>
    %dma_wait3A_81 = arith.constant 0 : i32
    %dma_wait3A_82 = arith.constant 0 : i32
    %dma_wait3A_83 = arith.constant 0 : i32
    %dma_wait3A_84 = tpu.memref_slice %arg12[%dma_wait3A_81, %dma_wait3A_82, %dma_wait3A_83] : memref<8x8x129xf32, #tpu.memory_space<vmem>> -> memref<8x8x128xf32, #tpu.memory_space<vmem>>
    tpu.wait_dma2 semaphore(%arg16 : memref<!tpu.dma_semaphore, #tpu.memory_space<semaphore_mem>>) src(%dma_wait3A_84 : memref<8x8x128xf32, #tpu.memory_space<vmem>>) dst(%dma_wait3A_80 : memref<8x8x128xf32, #tpu.memory_space<hbm>>)
    %dma_wait3A_85 = arith.constant 199 : i32
    %dma_wait3A_86 = arith.constant 0 : i32
    %dma_wait3A_87 = arith.constant 0 : i32
    %dma_wait3A_88 = arith.constant 0 : i32
    %dma_wait3A_89 = tpu.memref_slice %arg13[%dma_wait3A_86, %dma_wait3A_87, %dma_wait3A_88] : memref<8x8x129xf32, #tpu.memory_space<vmem>> -> memref<8x8x128xf32, #tpu.memory_space<vmem>>
    %dma_wait3A_90 = arith.constant 0 : i32
    %dma_wait3A_91 = arith.constant 0 : i32
    %dma_wait3A_92 = arith.constant 0 : i32
    %dma_wait3A_93 = tpu.memref_slice %arg6[%dma_wait3A_85, %dma_wait3A_90, %add3A, %dma_wait3A_91, %dma_wait3A_92] : memref<200x8x32x8x128xf32, #tpu.memory_space<hbm>> -> memref<1x8x1x8x128xf32, #tpu.memory_space<hbm>>
    %dma_wait3A_94 = tpu.memref_squeeze %dma_wait3A_93 : memref<1x8x1x8x128xf32, #tpu.memory_space<hbm>> -> memref<8x8x128xf32, #tpu.memory_space<hbm>>
    %dma_wait3A_95 = arith.constant 0 : i32
    %dma_wait3A_96 = arith.constant 0 : i32
    %dma_wait3A_97 = arith.constant 0 : i32
    %dma_wait3A_98 = tpu.memref_slice %arg6[%dma_wait3A_85, %dma_wait3A_95, %add3A, %dma_wait3A_96, %dma_wait3A_97] : memref<200x8x32x8x128xf32, #tpu.memory_space<hbm>> -> memref<1x8x1x8x128xf32, #tpu.memory_space<hbm>>
    %dma_wait3A_99 = tpu.memref_squeeze %dma_wait3A_98 : memref<1x8x1x8x128xf32, #tpu.memory_space<hbm>> -> memref<8x8x128xf32, #tpu.memory_space<hbm>>
    %dma_wait3A_100 = arith.constant 0 : i32
    %dma_wait3A_101 = arith.constant 0 : i32
    %dma_wait3A_102 = arith.constant 0 : i32
    %dma_wait3A_103 = tpu.memref_slice %arg13[%dma_wait3A_100, %dma_wait3A_101, %dma_wait3A_102] : memref<8x8x129xf32, #tpu.memory_space<vmem>> -> memref<8x8x128xf32, #tpu.memory_space<vmem>>
    tpu.wait_dma2 semaphore(%arg17 : memref<!tpu.dma_semaphore, #tpu.memory_space<semaphore_mem>>) src(%dma_wait3A_103 : memref<8x8x128xf32, #tpu.memory_space<vmem>>) dst(%dma_wait3A_99 : memref<8x8x128xf32, #tpu.memory_space<hbm>>)
    return
  }
}

</mosaic_0001>

<sc_bundles>
// kernel: kernel.3.cloned.1.call-start
scs
__scs_entry_jumppad:
0x0: {  	(pc) =	sbr.rel $0x88, $3  }
0x1: {  	(tag) =	ssettag $0x0;
	lr =	simm.s32 $0x1  }
0x2: {  	[smem:$0x3F9F] =	sst lr;
	_ =	strace $0xD0000000  }
0x3: {  	_ = 	snop  }
0x4: {  	_ = 	snop  }
0x5: {  	_ = 	snop  }
0x6: {  	_ = 	snop  }
0x7: {  	_ = 	snop  }
__scs_overlays_trampoline_lowered:
0x8: {  	[smem:$0x3FAE] =	sst s0  }
0x9: {  	[smem:$0x3FAF] =	sst s1  }
0xa: {  	[smem:$0x3FB0] =	sst s2  }
0xb: {  	[smem:$0x3FB1] =	sst s3  }
0xc: {  	[smem:$0x3FB2] =	sst s4  }
0xd: {  	[smem:$0x3FB3] =	sst s5  }
0xe: {  	[smem:$0x3FB4] =	sst s6  }
0xf: {  	[smem:$0x3FB5] =	sst s7  }
0x10: {  	[smem:$0x3FB6] =	sst s8  }
0x11: {  	[smem:$0x3FB7] =	sst s9;
	s0 =	simm.s32 @!p0 $0x0  }
0x12: {  	s1 =	sld [smem:$0x3F9D];
	s0 =	simm.s32 @p0 $0x1  }
0x13: {  	[smem:$0x3FB8] =	sst s0;
	s0 =	simm.s32 @!p1 $0x0  }
0x14: {  	s2 =	sld [smem:$0x3F9C];
	s0 =	simm.s32 @p1 $0x1  }
0x15: {  	[smem:$0x3FB9] =	sst s0;
	s0 =	simm.s32 @!p2 $0x0  }
0x16: {  	s3 =	sld [smem:$0x3FDB];
	s0 =	simm.s32 @p2 $0x1  }
0x17: {  	s4 =	simm.s32 $0x1BF5;
	[smem:$0x3FBB] =	sst s0  }
0x18: {  	s0 =	sld [smem:$0x3F9E];
	_ =	swait.ge [sflag:s4], $0x0  }
0x19: {  	s7 =	sld [smem:$0x3F9F]  }
0x1a: {  	s8 =	sadd.s32 $0xFFFFE003, lr  }
0x1b: {  	s9 =	sadd.s32 $0xFFFFFEF7, lr;
	s5 =	simm.s32 $0xFFFFFFFF;
	p2 =	slt.u32 s8, $0xFFFFF086  }
0x1c: {  	p1 =	slt.u32 s9, $0xF7A;
	s5 =	simm.s32 @!p2 $0x0  }
0x1d: {  	s5 =	simm.s32 @p1 $0x1;
	p0 =	seq.s32 s7, s2  }
0x1e: {  	s7 =	smul.u32 @!p0 $0xF7A, s2;
	p2 =	seq.s32 @!p0 s5, $0x0  }
0x1f: {  	s9 =	smul.u32 $0xF7A, s1;
	s8 =	simm.s32 @!p0 $0x1BF5;
	p2 =	por !p2, p0  }
0x20: {  	[sflag:s8] =	ssyncset.s32 @!p0 $0xFFFFF086;
	s6 =	sadd.s32 @!p0 s3, s7;
	s7 =	simm.s32 @!p0 $0x108  }
0x21: {  	s3 =	sadd.s32 s3, s9;
	s6 =	sadd.s32 @!p0 $0x88, s6;
	s7 =	simm.s32 @p2 $0x1082  }
0x22: {  	[simem:s7], [sflag:s8] =	dma.local @!p0 [hbm:s6], $0xF7A  }
0x23: {  	s9 =	sor.u32 $0xD0000000, s2;
	s6 =	simm.s32 $0x108;
	_ =	swait.ge @!p0 [sflag:s8], $0x0  }
0x24: {  	s3 =	sadd.s32 $0x88, s3;
	s6 =	simm.s32 @!p1 $0x1082;
	[sflag:s4] =	ssyncset.s32 $0xFFFFF086  }
0x25: {  	[simem:s6], [sflag:s4] =	dma.local [hbm:s3], $0xF7A  }
0x26: {  	[smem:$0x3F9F] =	sst s1;
	(tag) =	ssettag s2;
	_ =	strace s9  }
0x27: {  	s1 =	sld [smem:$0x3FAF]  }
0x28: {  	s2 =	sld [smem:$0x3FB0]  }
0x29: {  	s4 =	sld [smem:$0x3FB2]  }
0x2a: {  	p0 =	seq.s32 s5, $0x0;
	s5 =	sld [smem:$0x3FB3]  }
0x2b: {  	s6 =	sld [smem:$0x3FB4]  }
0x2c: {  	s7 =	sld [smem:$0x3FB5]  }
0x2d: {  	s3 =	simm.s32 $0x108;
	s8 =	sld [smem:$0x3FB6]  }
0x2e: {  	s3 =	simm.s32 @!p0 $0x1082;
	s9 =	sld [smem:$0x3FB7]  }
0x2f: {  	lr =	sadd.s32 s0, s3;
	s0 =	sld [smem:$0x3FAE]  }
0x30: {  	s3 =	sld [smem:$0x3FB1]  }
0x31: {  	[smem:$0x3FBA] =	sst s10  }
0x32: {  	s10 =	sld [smem:$0x3FB8];
	_ =	sdelay $0x3  }
0x33: {  	p0 =	seq.s32 s10, $0x1;
	s10 =	sld [smem:$0x3FBA];
	_ =	sdelay $0x3  }
0x34: {  	[smem:$0x3FBA] =	sst s10  }
0x35: {  	s10 =	sld [smem:$0x3FB9];
	_ =	sdelay $0x3  }
0x36: {  	p1 =	seq.s32 s10, $0x1;
	s10 =	sld [smem:$0x3FBA];
	_ =	sdelay $0x3  }
0x37: {  	[smem:$0x3FBA] =	sst s10  }
0x38: {  	s10 =	sld [smem:$0x3FBB]  }
0x39: {  	_ = 	snop;
	(pc) =	sbr.ind lr, $3  }
0x3a: {  	_ = 	snop  }
0x3b: {  	_ = 	snop  }
0x3c: {  	p2 =	seq.s32 s10, $0x1;
	s10 =	sld [smem:$0x3FBA]  }
0x3d: {  	_ =	shalt  }
0x3e: {  	_ =	shalt  }
0x3f: {  	_ =	shalt  }
0x40: {  	_ =	shalt  }
0x41: {  	_ =	shalt  }
0x42: {  	_ =	shalt  }
0x43: {  	_ =	shalt  }
0x44: {  	_ =	shalt  }
0x45: {  	_ =	shalt  }
0x46: {  	_ =	shalt  }
0x47: {  	_ =	shalt  }
0x48: {  	_ =	shalt  }
0x49: {  	_ =	shalt  }
0x4a: {  	_ =	shalt  }
0x4b: {  	_ =	shalt  }
0x4c: {  	_ =	shalt  }
0x4d: {  	_ =	shalt  }
0x4e: {  	_ =	shalt  }
0x4f: {  	_ =	shalt  }
0x50: {  	_ =	shalt  }
0x51: {  	_ =	shalt  }
0x52: {  	_ =	shalt  }
0x53: {  	_ =	shalt  }
0x54: {  	_ =	shalt  }
0x55: {  	_ =	shalt  }
0x56: {  	_ =	shalt  }
0x57: {  	_ =	shalt  }
0x58: {  	_ =	shalt  }
0x59: {  	_ =	shalt  }
0x5a: {  	_ =	shalt  }
0x5b: {  	_ =	shalt  }
0x5c: {  	_ =	shalt  }
0x5d: {  	_ =	shalt  }
0x5e: {  	_ =	shalt  }
0x5f: {  	_ =	shalt  }
0x60: {  	_ =	shalt  }
0x61: {  	_ =	shalt  }
0x62: {  	_ =	shalt  }
0x63: {  	_ =	shalt  }
0x64: {  	_ =	shalt  }
0x65: {  	_ =	shalt  }
0x66: {  	_ =	shalt  }
0x67: {  	_ =	shalt  }
0x68: {  	_ =	shalt  }
0x69: {  	_ =	shalt  }
0x6a: {  	_ =	shalt  }
0x6b: {  	_ =	shalt  }
0x6c: {  	_ =	shalt  }
0x6d: {  	_ =	shalt  }
0x6e: {  	_ =	shalt  }
0x6f: {  	_ =	shalt  }
0x70: {  	_ =	shalt  }
0x71: {  	_ =	shalt  }
0x72: {  	_ =	shalt  }
0x73: {  	_ =	shalt  }
0x74: {  	_ =	shalt  }
0x75: {  	_ =	shalt  }
0x76: {  	_ =	shalt  }
0x77: {  	_ =	shalt  }
0x78: {  	_ =	shalt  }
0x79: {  	_ =	shalt  }
0x7a: {  	_ =	shalt  }
0x7b: {  	_ =	shalt  }
0x7c: {  	_ =	shalt  }
0x7d: {  	_ =	shalt  }
0x7e: {  	_ =	shalt  }
0x7f: {  	_ =	shalt  }
0x80: {  	_ =	shalt  }
0x81: {  	_ =	shalt  }
0x82: {  	_ =	shalt  }
0x83: {  	_ =	shalt  }
0x84: {  	_ =	shalt  }
0x85: {  	_ =	shalt  }
0x86: {  	_ =	shalt  }
0x87: {  	_ =	shalt  }
.Lfunc_end0:
.L_simem_size_0:
called_computation_lowered:
.L_overlay_start_0:
0x88: {  	s2 =	sld [smem:$0x3FD9]  }
0x89: {  	s3 =	sld [smem:$0x3FFE];
	_ =	sdelay $0x1  }
0x8a: {  	s1 =	srdreg.scid  }
0x8b: {  	s0 =	sand.u32 $0x1, s1  }
0x8c: {  	s17 =	sshll.u32 s0, $0xA;
	s2 =	sadd.s32 s3, s2  }
0x8d: {  	s2 =	sadd.s32 s2, s17  }
0x8e: {  	[smem:$0x3FC6] =	sst s2  }
0x8f: {  	_ = 	snop  }
0x90: {  	s2 =	sld [smem:$0x3FD0];
	(tm) =	ssettm $0x1  }
0x91: {  	s18 =	sld [smem:$0x3FFB];
	_ =	sdelay $0x3  }
0x92: {  	_ =	strace s18  }
0x93: {  	s3 =	sld [smem:$0x3FFC];
	_ =	sdelay $0x3  }
0x94: {  	_ =	strace s3  }
0x95: {  	s3 =	sld [smem:$0x3FFD];
	_ =	sdelay $0x3  }
0x96: {  	_ =	strace s3  }
0x97: {  	_ =	strace $0x8FFFFFFF  }
0x98: {  	s19 =	sld [smem:$0x3FDB];
	_ =	sdelay $0x1  }
0x99: {  	s4 =	simm.s32 $_scs_section_size  }
0x9a: {  	s5 =	simm.s32 $_size__tile_overlayer_lowered;
	s6 =	simm.s32 $_tile_overlayer_lowered  }
0x9b: {  	s22 =	simm.s32 $0x1BFF;
	s21 =	sshll.u32 s6, $0x1;
	s3 =	sadd.s32 s4, s19  }
0x9c: {  	s7 =	simm.s32 $0x0;
	s20 =	sshll.u32 s5, $0x1;
	s5 =	sadd.s32 s21, s3  }
0x9d: {  	[timem:s7], [sflag:s22] =	dma.local [hbm:s5], s20  }
0x9e: {  	_ =	swait.ge [sflag:s22], s20  }
0x9f: {  	s4 =	ssub.s32 $0x0, s20;
	[sflag:s22] =	ssyncset.done $0x0  }
0xa0: {  	[sflag:s22] =	ssyncadd.s32 s4;
	_ =	sdelay $0x1  }
0xa1: {  	s23 =	simm.s32 $0x1B8B  }
0xa2: {  	_ =	swait.ge [sflag:s23], $0x1  }
0xa3: {  	[sflag:s23] =	ssyncset.done $0x0  }
0xa4: {  	s25 =	simm.s32 $0x1B8E;
	s24 =	sld [smem:$0x3FFE];
	[sflag:s23] =	ssyncadd.s32 $0xFFFFFFFF  }
0xa5: {  	s26 =	simm.s32 $execute0_lowered;
	[smem:$0x3FD2] =	sst s25  }
0xa6: {  	s5 =	sshll.u32 s26, $0x1;
	_ =	strace $0x80000046;
	[dreg:$0x1] =	wrdreg $0xFFFFFFFF  }
0xa7: {  	s28 =	simm.s32 $_size_execute0_lowered;
	s3 =	sadd.s32 s3, s5;
	[dreg:$0x0] =	wrdreg $0x0  }
0xa8: {  	s5 =	sshll.u32 s28, $0x1;
	[dreg:$0x2] =	wrdreg s3  }
0xa9: {  	[dreg:$0x3] =	wrdreg s5  }
0xaa: {  	[dreg:$0x4] =	wrdreg $0xC0  }
0xab: {  	_ =	task [dreg:s7], $0x5FFFF  }
0xac: {  	[dreg:$0x1] =	wrdreg $0xFFFFFFFF  }
0xad: {  	[dreg:$0x0] =	wrdreg $0x60  }
0xae: {  	[dreg:$0x2] =	wrdreg s24  }
0xaf: {  	[dreg:$0x3] =	wrdreg s2  }
0xb0: {  	[dreg:$0x4] =	wrdreg $0x9  }
0xb1: {  	_ =	task.clear_ibuf [dreg:s7], $0x5FFFF;
	_ =	strace $0x90000046  }
0xb2: {  	s29 =	simm.s32 $0x9;
	_ =	strace $0x80000048  }
0xb3: {  	_ =	swait.ge [sflag:s29], $0x1  }
0xb4: {  	[sflag:s29] =	ssyncadd.s32 $0xFFFFFFFF  }
0xb5: {  	_ =	strace $0x90000048  }
0xb6: {  	_ =	sfence  }
0xb7: {  	s30 =	sld [smem:$0x0];
	_ =	sdelay $0x2  }
0xb8: {  	s31 =	sshll.u32 s1, $0xD;
	s1 =	sshrl.u32 s1, $0x2  }
0xb9: {  	s3 =	sand.u32 $0x4000, s31;
	s1 =	sadd.s32 s1, s30  }
0xba: {  	s0 =	sor.u32 s3, s0;
	s1 =	sshll.u32 s1, $0x11  }
0xbb: {  	s0 =	sor.u32 s1, s0  }
0xbc: {  	s0 =	sadd.s32 $0x8F2B, s0  }
0xbd: {  	[sflag:s0] =	ssyncadd.remote.s32 $0x1  }
0xbe: {  	_ =	sfence.sel $0xFFFF  }
0xbf: {  	[dreg:$0x0] =	wrdreg $0xFFFFFFFF;
	(pc) =	sbr.abs _section_cstart, $3  }
0xc0: {  	[dreg:$0x1] =	wrdreg $0xFFFFFFFF  }
0xc1: {  	_ =	task.clear_ibuf [dreg:s7], $0x2FFFF;
	_ =	strace $0x9FFFFFFF  }
0xc2: {  	(tm) =	ssettm $0x7FFFFFFF  }
0xc3: {  	_ =	shalt  }
tec
execute0_lowered:
.L_overlay_start_1:
0x0: {  	(tag) =	ssettag $0x1  }
0x1: {  	s6 =	rddreg [dreg:$0x0]  }
0x2: {  	s1 =	srdreg.scid;
	s0 =	stileid.u32  }
0x3: {  	s2 =	rddreg [dreg:$0x1];
	s3 =	simm.s32 $0x0;
	s11 =	simm.s32 $0x5  }
0x4: {  	s12 =	simm.s32 $0x3200;
	s13 =	simm.s32 $0x80;
	s14 =	simm.s32 $0xC800  }
0x5: {  	v0 =	vimm.s32 $0xEFCDAB89;
	v1 =	vimm.s32 $0x67452301;
	s15 =	simm.s32 $0x6480;
	s16 =	simm.s32 $0xE800;
	s17 =	simm.s32 $0x1  }
0x6: {  	s18 =	simm.s32 $0x10800;
	s19 =	simm.s32 $0x2;
	s20 =	simm.s32 $0x12A00;
	v0 =	vunpack.c.l.s4.s8 v0;
	v1 =	vunpack.c.l.s4.s8 v1  }
0x7: {  	s21 =	simm.s32 $0x3;
	s22 =	simm.s32 $0x4;
	s23 =	simm.s32 $0x0  }
0x8: {  	s5 =	sand.u32 $0x1, s1;
	s4 =	sshll.u32 s0, $0x1;
	[smem:$0x7FF] =	sst s3;
	v0 =	vunpack.c.0.s8.s32 v0;
	v1 =	vunpack.c.0.s8.s32 v1  }
.Ltmp0:
0x9: {  	s8 =	sor.u32 s5, s4;
	_ =	strace $0x80000047;
	(pc) =	sbr.rel .LBB2_1-.Ltmp0, $4  }
0xa: {  	s4 =	sadd.s32 $0xF43000, s6;
	s9 =	ssub.s32 $0x2, s5;
	s7 =	smul.u32 $0xC80, s8;
	v1 =	vcombine.low v1, v0;
	v0 =	vlaneseq.u32  }
0xb: {  	s5 =	sadd.s32 $0x19C00, s6;
	s10 =	sshrl.u32 s9, $0x1;
	s8 =	sshll.u32 s8, $0xA;
	v0 =	vmul.u32 $0x88, v0  }
0xc: {  	s9 =	ssub.s32 s9, s10;
	s10 =	simm.s32 $0x6400;
	s7 =	sadd.s32 s7, s6;
	v1 =	vand.u32 $0xF, v1  }
0xd: {  	s6 =	sadd.s32 $0x1A400, s6;
	s9 =	smax.u32 s9, $0x1;
	s7 =	sadd.s32 $0xC00, s7;
	v2 =	vadd.s32 $0x880, v0;
	v3 =	vadd.s32 $0x1100, v0;
	v4 =	vadd.s32 $0x1980, v0  }
.LBB2_12:
0xe: {  	s23 =	sadd.s32 $0x1, s23  }
0xf: {  	_ =	swait.ge [sflag:s21], $0x2000;
	p0 =	sne.s32 s23, s9  }
.Ltmp1:
0x10: {  	[sflag:s21] =	ssyncset.done $0x0;
	(pc) =	sbr.rel @!p0 .LBB2_13-.Ltmp1, $4  }
0x11: {  	[sflag:s21] =	ssyncadd.s32 $0xFFFFE000  }
0x12: {  	_ =	swait.ge [sflag:s22], $0x2000  }
0x13: {  	[sflag:s22] =	ssyncset.done $0x0  }
0x14: {  	[sflag:s22] =	ssyncadd.s32 $0xFFFFE000  }
.LBB2_1:
0x15: {  	[tilespmem:s10], [sflag:$0x5] =	stream.linear.gather [hbm4b:s7+s3], $0x6400, $0x38;
	[tilespmem:$0x14C00] =	vst v63  }
0x16: {  	_ =	swait.ge [sflag:s11], $0x6400  }
0x17: {  	[sflag:s11] =	ssyncset.done $0x0  }
0x18: {  	[sflag:s11] =	ssyncadd.s32 $0xFFFF9C00  }
0x19: {  	[tilespmem:s3], [sflag:$0x5] =	stream.linear.gather [hbm4b:s5+s3], $0x3200, $0x38;
	[tilespmem:$0x14C00] =	vst v63  }
0x1a: {  	_ =	swait.ge [sflag:s11], $0x3200  }
0x1b: {  	[sflag:s11] =	ssyncset.done $0x0  }
0x1c: {  	[sflag:s11] =	ssyncadd.s32 $0xFFFFCE00  }
0x1d: {  	[tilespmem:s12], [sflag:$0x5] =	stream.linear.gather [hbm4b:s6+s3], $0x3200, $0x38;
	[tilespmem:$0x14C00] =	vst v63  }
0x1e: {  	_ =	swait.ge [sflag:s11], $0x3200  }
0x1f: {  	[sflag:s11] =	ssyncset.done $0x0  }
0x20: {  	[sflag:s11] =	ssyncadd.s32 $0xFFFFCE00  }
0x21: {  	[tilespmem:s14], [sflag:$0x1] =	stream.indirect.gather [hbm4b:s4+s13], $0x40, s10, s13, $0xb8;
	[tilespmem:$0x14C00] =	vst v63  }
0x22: {  	s24 =	simm.s32 $0x0  }
0x23: {  	[tilespmem:s16], [sflag:$0x2] =	stream.indirect.gather [hbm4b:s4+s13], $0x40, s15, s13, $0xb8;
	[tilespmem:$0x14C00] =	vst v63  }
.LBB2_2:
0x24: {  	_ =	swait.ge [sflag:s17], $0x2000  }
0x25: {  	p0 =	seq.s32 s24, $0x0;
	[sflag:s17] =	ssyncset.done $0x0  }
0x26: {  	s25 =	simm.s32 @!p0 $0x3;
	[sflag:s17] =	ssyncadd.s32 $0xFFFFE000  }
0x27: {  	_ =	swait.ge @!p0 [sflag:s25], $0x2000  }
0x28: {  	[sflag:s25] =	ssyncset.done @!p0 $0x0  }
0x29: {  	s26 =	simm.s32 $0xC880;
	[sflag:s25] =	ssyncadd.s32 @!p0 $0xFFFFE000  }
0x2a: {  	s31 =	sshll.u32 s24, $0x7;
	v6 =	vld [tilespmem:s26+$0x40]  }
0x2b: {  	v16 =	vld [tilespmem:s31+$0x0]  }
0x2c: {  	v17 =	vld [tilespmem:s31+$0x3200]  }
0x2d: {  	s28 =	simm.s32 $0x3;
	v11 =	vld [tilespmem:s26+$0xFFFFFF80]  }
0x2e: {  	v5 =	vmov s28;
	v9 =	vld [tilespmem:s31+$0x10]  }
0x2f: {  	s29 =	simm.s32 $0x2;
	s28 =	simm.s32 $0x0;
	v10 =	vand.u32 $0x7F, v5;
	v13 =	vld [tilespmem:s26+$0xFFFFFFC0];
	v8 =	vperm.xlane v6, v1  }
0x30: {  	v22 =	vmov s29;
	v12 =	vmov s28;
	s28 =	simm.s32 $0x1;
	v15 =	vadd.s32 v0, v10;
	v14 =	vld [tilespmem:s26+$0x0]  }
0x31: {  	v20 =	vmov s28;
	v7 =	vld [tilespmem:s31+$0x20];
	v6 =	vmul.f32 v6, v16;
	v19 =	vmul.f32 v8, v17  }
0x32: {  	v18 =	vand.u32 $0x7C, v12;
	v23 =	vand.u32 $0x7D, v20;
	v5 =	vld [tilespmem:s31+$0x30];
	v20 =	vperm.xlane v11, v1  }
0x33: {  	v21 =	vadd.s32 v0, v18;
	v12 =	vld [tilespmem:s31+$0x3210];
	v11 =	vmul.f32 v11, v16;
	v19 =	vadd.f32 v19, v6  }
0x34: {  	v24 =	vadd.s32 v0, v23;
	v25 =	vperm.xlane v13, v1;
	v8 =	vld [tilespmem:s31+$0x3220];
	v20 =	vmul.f32 v20, v17  }
0x35: {  	v30 =	vand.u32 $0x7E, v22;
	v22 =	vperm.xlane v14, v1;
	v13 =	vmul.f32 v13, v16;
	v6 =	vld [tilespmem:s31+$0x3230];
	[tilespmem:v15+s18+$0x0] =	vst.idx.msk $0xffff, v19  }
0x36: {  	v11 =	vadd.f32 v20, v11;
	v15 =	vadd.s32 v0, v30;
	v19 =	vmul.f32 v25, v17;
	v25 =	vld [tilespmem:s26+$0x50]  }
0x37: {  	v14 =	vmul.f32 v14, v16;
	v22 =	vmul.f32 v22, v17  }
0x38: {  	[tilespmem:v21+s18+$0x0] =	vst.idx.msk $0xffff, v11;
	v13 =	vadd.f32 v19, v13  }
0x39: {  	v11 =	vadd.f32 v22, v14;
	v14 =	vld [tilespmem:s26+$0xFFFFFF90]  }
0x3a: {  	[tilespmem:v24+s18+$0x0] =	vst.idx.msk $0xffff, v13  }
0x3b: {  	v13 =	vld [tilespmem:s26+$0xFFFFFFD0];
	[tilespmem:v15+s18+$0x0] =	vst.idx.msk $0xffff, v11;
	v11 =	vperm.xlane v25, v1  }
0x3c: {  	v19 =	vadd.s32 v2, v10;
	v15 =	vld [tilespmem:s26+$0x10]  }
0x3d: {  	v20 =	vmul.f32 v25, v9;
	v11 =	vmul.f32 v11, v12  }
0x3e: {  	v22 =	vperm.xlane v14, v1  }
0x3f: {  	v21 =	vadd.s32 v2, v18;
	v14 =	vmul.f32 v14, v9;
	v11 =	vadd.f32 v11, v20  }
0x40: {  	v26 =	vadd.s32 v2, v30;
	v22 =	vmul.f32 v22, v12;
	v24 =	vperm.xlane v13, v1  }
0x41: {  	v20 =	vadd.s32 v2, v23;
	v25 =	vperm.xlane v15, v1;
	[tilespmem:v19+s18+$0x0] =	vst.idx.msk $0xffff, v11  }
0x42: {  	v14 =	vadd.f32 v22, v14;
	v11 =	vmul.f32 v13, v9;
	v13 =	vmul.f32 v24, v12;
	v31 =	vld [tilespmem:s26+$0x60]  }
0x43: {  	v19 =	vmul.f32 v15, v9;
	v22 =	vmul.f32 v25, v12  }
0x44: {  	s29 =	simm.s32 $0x4;
	v28 =	vadd.s32 v3, v10;
	s31 =	simm.s32 $0x6;
	[tilespmem:v21+s18+$0x0] =	vst.idx.msk $0xffff, v14;
	v13 =	vadd.f32 v13, v11  }
0x45: {  	s1 =	simm.s32 $0x5;
	v29 =	vmov s31;
	v24 =	vmov s29;
	v33 =	vld [tilespmem:s26+$0xFFFFFFA0];
	v14 =	vadd.f32 v22, v19  }
0x46: {  	v15 =	vadd.s32 v4, v18;
	v21 =	vmov s1;
	v25 =	vadd.s32 v3, v23;
	[tilespmem:v20+s18+$0x0] =	vst.idx.msk $0xffff, v13  }
0x47: {  	v11 =	vand.u32 $0x7C, v24;
	v24 =	vadd.s32 v3, v18;
	[tilespmem:v26+s18+$0x0] =	vst.idx.msk $0xffff, v14;
	v27 =	vld [tilespmem:s26+$0xFFFFFFE0];
	v20 =	vperm.xlane v31, v1  }
0x48: {  	v18 =	vadd.s32 v4, v23;
	v19 =	vadd.s32 v2, v11;
	v22 =	vadd.s32 v0, v11;
	v26 =	vld [tilespmem:s26+$0x20]  }
0x49: {  	v13 =	vadd.s32 v4, v30;
	v34 =	vmul.f32 v31, v7;
	v35 =	vmul.f32 v20, v8  }
0x4a: {  	s28 =	simm.s32 $0xC980;
	v14 =	vand.u32 $0x7D, v21;
	v21 =	vadd.s32 v3, v30;
	v32 =	vperm.xlane v33, v1  }
0x4b: {  	s30 =	simm.s32 $0x8;
	s25 =	sshll.u32 s24, $0x1;
	v31 =	vld [tilespmem:s28+$0x40];
	v30 =	vmul.f32 v33, v7;
	v20 =	vadd.s32 v2, v14;
	v33 =	vadd.f32 v35, v34  }
.LBB2_3:
0x4c: {  	p1 =	slt.u32 s30, $0x7C;
	v34 =	vld [tilespmem:s28+$0xFFFFFF80];
	v35 =	vadd.s32 v0, v14;
	v36 =	vperm.xlane v27, v1;
	v27 =	vmul.f32 v27, v7  }
0x4d: {  	v23 =	vand.u32 $0x7E, v29;
	v37 =	vld [tilespmem:s28+$0xFFFFFFC0];
	v29 =	vmul.f32 v32, v8;
	v32 =	vperm.xlane v26, v1;
	[tilespmem:v28+s18+$0x0] =	vst.idx.msk $0xffff, v33  }
0x4e: {  	s31 =	sadd.s32 $0x3, s29;
	s29 =	smov.u32 s30;
	v28 =	vadd.s32 v0, v23;
	v26 =	vmul.f32 v26, v7;
	v33 =	vmul.f32 v36, v8;
	v36 =	vld [tilespmem:s26+$0x70]  }
0x4f: {  	v39 =	vmov s31;
	v38 =	vld [tilespmem:s28+$0x0];
	v29 =	vadd.f32 v29, v30;
	v30 =	vmul.f32 v32, v8  }
0x50: {  	v39 =	vand.u32 $0x7F, v39;
	v32 =	vperm.xlane v31, v1;
	v27 =	vadd.f32 v33, v27  }
0x51: {  	v40 =	vadd.s32 v0, v39;
	v33 =	vperm.xlane v34, v1;
	v34 =	vmul.f32 v34, v16  }
0x52: {  	v31 =	vmul.f32 v31, v16;
	v26 =	vadd.f32 v30, v26;
	v32 =	vmul.f32 v32, v17  }
0x53: {  	v30 =	vperm.xlane v37, v1;
	[tilespmem:v24+s18+$0x0] =	vst.idx.msk $0xffff, v29;
	v24 =	vperm.xlane v36, v1  }
0x54: {  	v41 =	vadd.s32 v4, v10;
	v10 =	vmovc v39;
	v29 =	vperm.xlane v38, v1;
	v31 =	vadd.f32 v32, v31;
	v32 =	vld [tilespmem:s26+$0xFFFFFFB0]  }
0x55: {  	[tilespmem:v25+s18+$0x0] =	vst.idx.msk $0xffff, v27;
	v25 =	vmul.f32 v36, v5;
	v24 =	vmul.f32 v24, v6  }
0x56: {  	v30 =	vmul.f32 v30, v17;
	v27 =	vmul.f32 v33, v17;
	[tilespmem:v40+s18+$0x0] =	vst.idx.msk $0xffff, v31;
	v31 =	vld [tilespmem:s26+$0xFFFFFFF0]  }
0x57: {  	v33 =	vmul.f32 v37, v16;
	v29 =	vmul.f32 v29, v17;
	v36 =	vld [tilespmem:s28+$0x50];
	v24 =	vadd.f32 v24, v25  }
0x58: {  	v25 =	vadd.f32 v27, v34;
	v27 =	vmul.f32 v38, v16;
	[tilespmem:v21+s18+$0x0] =	vst.idx.msk $0xffff, v26  }
0x59: {  	v21 =	vadd.f32 v30, v33;
	v26 =	vperm.xlane v32, v1;
	v30 =	vld [tilespmem:s26+$0x30];
	[tilespmem:v41+s18+$0x0] =	vst.idx.msk $0xffff, v24;
	s26 =	smov.u32 s28  }
0x5a: {  	v24 =	vmul.f32 v32, v5;
	[tilespmem:v22+s18+$0x0] =	vst.idx.msk $0xffff, v25;
	v22 =	vadd.f32 v29, v27  }
0x5b: {  	v25 =	vld [tilespmem:s28+$0xFFFFFF90];
	[tilespmem:v35+s18+$0x0] =	vst.idx.msk $0xffff, v21;
	v21 =	vmul.f32 v26, v6;
	v26 =	vperm.xlane v31, v1  }
0x5c: {  	v27 =	vld [tilespmem:s28+$0xFFFFFFD0];
	[tilespmem:v28+s18+$0x0] =	vst.idx.msk $0xffff, v22;
	v22 =	vperm.xlane v36, v1;
	v28 =	vmul.f32 v31, v5  }
0x5d: {  	v31 =	vadd.s32 v2, v10;
	v29 =	vld [tilespmem:s28+$0x10];
	v21 =	vadd.f32 v21, v24;
	v24 =	vmul.f32 v26, v6  }
0x5e: {  	v32 =	vmul.f32 v36, v9;
	v26 =	vadd.s32 v2, v23;
	v22 =	vmul.f32 v22, v12  }
0x5f: {  	v24 =	vadd.f32 v24, v28;
	v28 =	vperm.xlane v30, v1;
	v30 =	vmul.f32 v30, v5  }
0x60: {  	v33 =	vperm.xlane v25, v1;
	v25 =	vmul.f32 v25, v9;
	v22 =	vadd.f32 v22, v32  }
0x61: {  	v32 =	vperm.xlane v27, v1;
	v27 =	vmul.f32 v27, v9;
	[tilespmem:v15+s18+$0x0] =	vst.idx.msk $0xffff, v21  }
0x62: {  	v15 =	vmul.f32 v33, v12;
	v21 =	vperm.xlane v29, v1;
	[tilespmem:v31+s18+$0x0] =	vst.idx.msk $0xffff, v22  }
0x63: {  	v29 =	vmul.f32 v29, v9;
	v22 =	vmul.f32 v32, v12;
	v31 =	vld [tilespmem:s28+$0x60];
	[tilespmem:v18+s18+$0x0] =	vst.idx.msk $0xffff, v24  }
0x64: {  	v24 =	vmul.f32 v28, v6;
	v18 =	vadd.f32 v15, v25;
	v21 =	vmul.f32 v21, v12  }
0x65: {  	v25 =	vmov s30;
	v15 =	vadd.s32 v4, v11;
	v22 =	vadd.f32 v22, v27  }
0x66: {  	s31 =	sadd.s32 $0x1, s30;
	v25 =	vand.u32 $0x7C, v25;
	[tilespmem:v19+s18+$0x0] =	vst.idx.msk $0xffff, v18;
	v18 =	vadd.f32 v21, v29;
	v21 =	vadd.f32 v24, v30  }
0x67: {  	v28 =	vmov s31;
	s31 =	sadd.s32 $0x2, s30;
	v19 =	vadd.s32 v2, v25;
	v24 =	vadd.s32 v3, v11;
	v11 =	vmovc v25;
	v30 =	vld [tilespmem:s28+$0xFFFFFFA0];
	[tilespmem:v20+s18+$0x0] =	vst.idx.msk $0xffff, v22  }
.Ltmp2:
0x68: {  	v29 =	vmov s31;
	v22 =	vadd.s32 v0, v11;
	v27 =	vld [tilespmem:s28+$0xFFFFFFE0];
	[tilespmem:v26+s18+$0x0] =	vst.idx.msk $0xffff, v18;
	v20 =	vperm.xlane v31, v1;
	(pc) =	sbr.rel @p1 .LBB2_3-.Ltmp2, $4  }
0x69: {  	v32 =	vand.u32 $0x7D, v28;
	v28 =	vadd.s32 v3, v10;
	v18 =	vadd.s32 v4, v14;
	v26 =	vld [tilespmem:s28+$0x20];
	[tilespmem:v13+s18+$0x0] =	vst.idx.msk $0xffff, v21  }
0x6a: {  	v33 =	vmul.f32 v31, v7;
	v13 =	vadd.s32 v4, v23;
	v34 =	vmul.f32 v20, v8  }
0x6b: {  	v25 =	vadd.s32 v3, v14;
	v14 =	vmovc v32;
	v21 =	vadd.s32 v3, v23;
	s28 =	sadd.s32 $0x100, s28;
	v20 =	vadd.s32 v2, v32  }
0x6c: {  	s30 =	sadd.s32 $0x4, s30;
	v31 =	vld [tilespmem:s28+$0x40];
	v32 =	vperm.xlane v30, v1;
	v30 =	vmul.f32 v30, v7;
	v33 =	vadd.f32 v34, v33  }
0x6d: {  	v23 =	vld [tilespmem:s28+$0xFFFFFF80]  }
0x6e: {  	v35 =	vld [tilespmem:s28+$0xFFFFFFC0]  }
0x6f: {  	s29 =	sadd.s32 $0x3, s29;
	v37 =	vld [tilespmem:s28+$0x0]  }
0x70: {  	v49 =	vadd.s32 v0, v14;
	v34 =	vmov s29  }
0x71: {  	v34 =	vand.u32 $0x7F, v34;
	v36 =	vperm.xlane v31, v1;
	v48 =	vmul.f32 v31, v16  }
0x72: {  	v38 =	vadd.s32 v0, v34;
	v39 =	vperm.xlane v23, v1;
	v23 =	vmul.f32 v23, v16  }
0x73: {  	v29 =	vand.u32 $0x7E, v29;
	v40 =	vperm.xlane v35, v1;
	v36 =	vmul.f32 v36, v17  }
0x74: {  	v52 =	vadd.s32 v0, v29;
	v50 =	vperm.xlane v37, v1;
	v51 =	vmul.f32 v39, v17  }
0x75: {  	v35 =	vmul.f32 v35, v16;
	v40 =	vmul.f32 v40, v17;
	v31 =	vadd.f32 v36, v48  }
0x76: {  	v55 =	vmul.f32 v37, v16;
	v53 =	vmul.f32 v50, v17;
	v23 =	vadd.f32 v51, v23  }
0x77: {  	v56 =	vadd.f32 v40, v35;
	[tilespmem:v38+s18+$0x0] =	vst.idx.msk $0xffff, v31  }
0x78: {  	v57 =	vperm.xlane v27, v1;
	v16 =	vadd.f32 v53, v55;
	v54 =	vld [tilespmem:s28+$0x50];
	[tilespmem:v22+s18+$0x0] =	vst.idx.msk $0xffff, v23  }
0x79: {  	v59 =	vmul.f32 v27, v7;
	v10 =	vadd.s32 v4, v10;
	[tilespmem:v49+s18+$0x0] =	vst.idx.msk $0xffff, v56;
	v23 =	vld [tilespmem:s28+$0xFFFFFF90]  }
0x7a: {  	v61 =	vperm.xlane v26, v1;
	v62 =	vmul.f32 v57, v8;
	[tilespmem:v52+s18+$0x0] =	vst.idx.msk $0xffff, v16;
	v63 =	vld [tilespmem:s28+$0xFFFFFFD0]  }
0x7b: {  	[tilespmem:v28+s18+$0x0] =	vst.idx.msk $0xffff, v33;
	v60 =	vmul.f32 v32, v8;
	v45 =	vadd.s32 v2, v29;
	v38 =	vld [tilespmem:s28+$0x10]  }
0x7c: {  	v33 =	vadd.s32 v3, v11;
	v27 =	vmul.f32 v61, v8;
	v17 =	vadd.f32 v62, v59  }
0x7d: {  	v39 =	vadd.s32 v2, v34;
	v37 =	vperm.xlane v54, v1;
	v40 =	vmul.f32 v54, v9  }
0x7e: {  	v58 =	vld [tilespmem:s26+$0x70];
	v22 =	vadd.f32 v60, v30;
	v43 =	vperm.xlane v23, v1;
	v23 =	vmul.f32 v23, v9  }
0x7f: {  	[tilespmem:v25+s18+$0x0] =	vst.idx.msk $0xffff, v17;
	v44 =	vperm.xlane v63, v1;
	v41 =	vmul.f32 v37, v12  }
0x80: {  	[tilespmem:v24+s18+$0x0] =	vst.idx.msk $0xffff, v22;
	v46 =	vperm.xlane v38, v1;
	v17 =	vmul.f32 v43, v12  }
0x81: {  	v53 =	vld [tilespmem:s26+$0xFFFFFFF0];
	v32 =	vmul.f32 v63, v9;
	v48 =	vmul.f32 v44, v12;
	v22 =	vadd.f32 v41, v40  }
0x82: {  	v47 =	vld [tilespmem:s26+$0xFFFFFFB0];
	v49 =	vmul.f32 v38, v9;
	v51 =	vmul.f32 v46, v12;
	v17 =	vadd.f32 v17, v23  }
0x83: {  	v42 =	vperm.xlane v58, v1;
	[tilespmem:v39+s18+$0x0] =	vst.idx.msk $0xffff, v22;
	v22 =	vadd.f32 v48, v32  }
0x84: {  	v36 =	vmul.f32 v26, v7;
	v9 =	vadd.f32 v51, v49;
	v50 =	vld [tilespmem:s28+$0x60];
	[tilespmem:v19+s18+$0x0] =	vst.idx.msk $0xffff, v17  }
0x85: {  	v26 =	vmul.f32 v42, v6;
	v52 =	vmul.f32 v58, v5;
	v55 =	vld [tilespmem:s28+$0xFFFFFFA0];
	[tilespmem:v20+s18+$0x0] =	vst.idx.msk $0xffff, v22  }
0x86: {  	v35 =	vadd.s32 v3, v14;
	v62 =	vperm.xlane v53, v1;
	[tilespmem:v45+s18+$0x0] =	vst.idx.msk $0xffff, v9;
	v57 =	vld [tilespmem:s28+$0xFFFFFFE0]  }
0x87: {  	v56 =	vadd.f32 v26, v52;
	v58 =	vperm.xlane v47, v1;
	v61 =	vmul.f32 v47, v5;
	v60 =	vld [tilespmem:s28+$0x20]  }
0x88: {  	v54 =	vadd.f32 v27, v36;
	v44 =	vmul.f32 v53, v5;
	v46 =	vmul.f32 v62, v6  }
0x89: {  	v63 =	vadd.s32 v3, v34;
	v59 =	vperm.xlane v50, v1;
	v32 =	vmul.f32 v50, v7  }
0x8a: {  	[tilespmem:v21+s18+$0x0] =	vst.idx.msk $0xffff, v54;
	v36 =	vperm.xlane v55, v1;
	v16 =	vmul.f32 v55, v7  }
0x8b: {  	[tilespmem:v10+s18+$0x0] =	vst.idx.msk $0xffff, v56;
	v38 =	vld [tilespmem:s26+$0x30];
	v12 =	vmul.f32 v59, v8;
	v37 =	vperm.xlane v57, v1  }
0x8c: {  	v39 =	vadd.s32 v3, v29;
	v40 =	vperm.xlane v60, v1;
	v25 =	vmul.f32 v36, v8  }
0x8d: {  	v19 =	vmul.f32 v57, v7;
	v10 =	vadd.f32 v12, v32;
	v41 =	vmul.f32 v37, v8  }
0x8e: {  	v7 =	vmul.f32 v60, v7;
	v43 =	vmul.f32 v40, v8;
	v42 =	vadd.f32 v25, v16  }
0x8f: {  	v9 =	vmul.f32 v58, v6;
	[tilespmem:v63+s18+$0x0] =	vst.idx.msk $0xffff, v10;
	v10 =	vadd.f32 v41, v19  }
0x90: {  	v48 =	vperm.xlane v38, v1;
	v7 =	vadd.f32 v43, v7;
	v45 =	vld [tilespmem:s28+$0x70];
	[tilespmem:v33+s18+$0x0] =	vst.idx.msk $0xffff, v42  }
0x91: {  	v49 =	vadd.f32 v46, v44;
	v47 =	vadd.f32 v9, v61;
	v12 =	vld [tilespmem:s28+$0xFFFFFFB0];
	[tilespmem:v35+s18+$0x0] =	vst.idx.msk $0xffff, v10  }
0x92: {  	v51 =	vmul.f32 v48, v6;
	[tilespmem:v39+s18+$0x0] =	vst.idx.msk $0xffff, v7;
	v7 =	vmul.f32 v38, v5;
	v50 =	vld [tilespmem:s28+$0xFFFFFFF0]  }
0x93: {  	[tilespmem:v18+s18+$0x0] =	vst.idx.msk $0xffff, v49;
	v52 =	vld [tilespmem:s28+$0x30]  }
0x94: {  	v53 =	vadd.s32 v4, v11;
	[tilespmem:v15+s18+$0x0] =	vst.idx.msk $0xffff, v47;
	v7 =	vadd.f32 v51, v7  }
0x95: {  	v57 =	vadd.s32 v4, v34;
	v54 =	vperm.xlane v45, v1;
	v56 =	vmul.f32 v45, v5  }
0x96: {  	[tilespmem:v13+s18+$0x0] =	vst.idx.msk $0xffff, v7;
	v58 =	vperm.xlane v12, v1;
	v7 =	vmul.f32 v12, v5  }
0x97: {  	v55 =	vadd.s32 v4, v14;
	v11 =	vmul.f32 v54, v6;
	v59 =	vperm.xlane v50, v1  }
0x98: {  	v60 =	vadd.s32 v4, v29;
	v61 =	vperm.xlane v52, v1;
	v17 =	vmul.f32 v58, v6  }
0x99: {  	v62 =	vmul.f32 v50, v5;
	v11 =	vadd.f32 v11, v56;
	v12 =	vmul.f32 v59, v6  }
0x9a: {  	v5 =	vmul.f32 v52, v5;
	v6 =	vmul.f32 v61, v6;
	v7 =	vadd.f32 v17, v7  }
0x9b: {  	s1 =	sshll.u32 s24, $0x13;
	[tilespmem:v57+s18+$0x0] =	vst.idx.msk $0xffff, v11;
	v63 =	vadd.f32 v12, v62  }
0x9c: {  	s26 =	sor.u32 s8, s1;
	v5 =	vadd.f32 v6, v5;
	[tilespmem:v53+s18+$0x0] =	vst.idx.msk $0xffff, v7  }
0x9d: {  	s26 =	sshrl.u32 s26, $0x3;
	[tilespmem:v55+s18+$0x0] =	vst.idx.msk $0xffff, v63  }
0x9e: {  	s1 =	simm.s32 $0x10800;
	s28 =	sadd.s32 s2, s26;
	[tilespmem:v60+s18+$0x0] =	vst.idx.msk $0xffff, v5  }
0x9f: {  	[hbm4b:s28+s3] =	stream.linear.scatter [tilespmem:s1], [sflag:$0x3], $0x80, $0x38;
	[tilespmem:$0x14C00] =	vst v63  }
0xa0: {  	s29 =	sadd.s32 $0x10, s28;
	s1 =	simm.s32 $0x10888  }
0xa1: {  	[hbm4b:s29+s3] =	stream.linear.scatter [tilespmem:s1], [sflag:$0x3], $0x80, $0x38;
	[tilespmem:$0x14C00] =	vst v63  }
0xa2: {  	s1 =	simm.s32 $0x10910;
	s29 =	sadd.s32 $0x20, s28  }
0xa3: {  	[hbm4b:s29+s3] =	stream.linear.scatter [tilespmem:s1], [sflag:$0x3], $0x80, $0x38;
	[tilespmem:$0x14C00] =	vst v63  }
0xa4: {  	s1 =	simm.s32 $0x10998;
	s29 =	sadd.s32 $0x30, s28  }
0xa5: {  	[hbm4b:s29+s3] =	stream.linear.scatter [tilespmem:s1], [sflag:$0x3], $0x80, $0x38;
	[tilespmem:$0x14C00] =	vst v63  }
0xa6: {  	s1 =	simm.s32 $0x10A20;
	s29 =	sadd.s32 $0x40, s28  }
0xa7: {  	[hbm4b:s29+s3] =	stream.linear.scatter [tilespmem:s1], [sflag:$0x3], $0x80, $0x38;
	[tilespmem:$0x14C00] =	vst v63  }
0xa8: {  	s30 =	simm.s32 $0x10BB8;
	s1 =	simm.s32 $0x10AA8;
	s29 =	sadd.s32 $0x50, s28  }
0xa9: {  	[hbm4b:s29+s3] =	stream.linear.scatter [tilespmem:s1], [sflag:$0x3], $0x80, $0x38;
	[tilespmem:$0x14C00] =	vst v63  }
0xaa: {  	s26 =	simm.s32 $0x440;
	s1 =	simm.s32 $0x10B30;
	s29 =	sadd.s32 $0x60, s28  }
0xab: {  	[hbm4b:s29+s3] =	stream.linear.scatter [tilespmem:s1], [sflag:$0x3], $0x80, $0x38;
	[tilespmem:$0x14C00] =	vst v63  }
0xac: {  	s31 =	sadd.s32 $0x70, s28;
	s28 =	sadd.s32 $0x1000, s28;
	s29 =	simm.s32 $0x2200  }
.LBB2_5:
0xad: {  	[hbm4b:s31+s3] =	stream.linear.scatter [tilespmem:s30], [sflag:$0x3], $0x80, $0x38;
	[tilespmem:$0x14C00] =	vst v63  }
0xae: {  	s30 =	smov.u32 s26;
	s26 =	smov.u32 s29  }
0xaf: {  	s1 =	sadd.s32 $0x1100, s29;
	s26 =	sshra.s32 s26, $0x2;
	s31 =	sadd.s32 $0x10800, s30  }
0xb0: {  	[hbm4b:s28+s3] =	stream.linear.scatter [tilespmem:s31], [sflag:$0x3], $0x80, $0x38;
	[tilespmem:$0x14C00] =	vst v63  }
0xb1: {  	p1 =	sne.s32 s29, $0x7700;
	s29 =	sadd.s32 $0x10888, s30;
	s31 =	sadd.s32 $0x10, s28  }
0xb2: {  	[hbm4b:s31+s3] =	stream.linear.scatter [tilespmem:s29], [sflag:$0x3], $0x80, $0x38;
	[tilespmem:$0x14C00] =	vst v63  }
0xb3: {  	s29 =	sadd.s32 $0x10910, s30;
	s31 =	sadd.s32 $0x20, s28  }
0xb4: {  	[hbm4b:s31+s3] =	stream.linear.scatter [tilespmem:s29], [sflag:$0x3], $0x80, $0x38;
	[tilespmem:$0x14C00] =	vst v63  }
0xb5: {  	s29 =	sadd.s32 $0x10998, s30;
	s31 =	sadd.s32 $0x30, s28  }
0xb6: {  	[hbm4b:s31+s3] =	stream.linear.scatter [tilespmem:s29], [sflag:$0x3], $0x80, $0x38;
	[tilespmem:$0x14C00] =	vst v63  }
0xb7: {  	s29 =	sadd.s32 $0x10A20, s30;
	s31 =	sadd.s32 $0x40, s28  }
0xb8: {  	[hbm4b:s31+s3] =	stream.linear.scatter [tilespmem:s29], [sflag:$0x3], $0x80, $0x38;
	[tilespmem:$0x14C00] =	vst v63  }
.Ltmp3:
0xb9: {  	s29 =	sadd.s32 $0x10AA8, s30;
	s31 =	sadd.s32 $0x50, s28;
	(pc) =	sbr.rel @p1 .LBB2_5-.Ltmp3, $4  }
0xba: {  	[hbm4b:s31+s3] =	stream.linear.scatter [tilespmem:s29], [sflag:$0x3], $0x80, $0x38;
	[tilespmem:$0x14C00] =	vst v63  }
0xbb: {  	s29 =	sadd.s32 $0x10B30, s30;
	s31 =	sadd.s32 $0x60, s28;
	s30 =	sadd.s32 $0x10BB8, s30  }
0xbc: {  	[hbm4b:s31+s3] =	stream.linear.scatter [tilespmem:s29], [sflag:$0x3], $0x80, $0x38;
	[tilespmem:$0x14C00] =	vst v63  }
0xbd: {  	s31 =	sadd.s32 $0x70, s28;
	s28 =	sadd.s32 $0x1000, s28;
	s29 =	smov.u32 s1  }
0xbe: {  	[hbm4b:s31+s3] =	stream.linear.scatter [tilespmem:s30], [sflag:$0x3], $0x80, $0x38;
	[tilespmem:$0x14C00] =	vst v63  }
0xbf: {  	s1 =	sadd.s32 $0x10800, s26  }
0xc0: {  	[hbm4b:s28+s3] =	stream.linear.scatter [tilespmem:s1], [sflag:$0x3], $0x80, $0x38;
	[tilespmem:$0x14C00] =	vst v63  }
0xc1: {  	s31 =	sadd.s32 $0x10888, s26;
	s29 =	sadd.s32 $0x10, s28  }
0xc2: {  	[hbm4b:s29+s3] =	stream.linear.scatter [tilespmem:s31], [sflag:$0x3], $0x80, $0x38;
	[tilespmem:$0x14C00] =	vst v63  }
0xc3: {  	s31 =	sadd.s32 $0x10910, s26;
	s29 =	sadd.s32 $0x20, s28  }
0xc4: {  	[hbm4b:s29+s3] =	stream.linear.scatter [tilespmem:s31], [sflag:$0x3], $0x80, $0x38;
	[tilespmem:$0x14C00] =	vst v63  }
0xc5: {  	s31 =	sadd.s32 $0x10998, s26;
	s29 =	sadd.s32 $0x30, s28  }
0xc6: {  	[hbm4b:s29+s3] =	stream.linear.scatter [tilespmem:s31], [sflag:$0x3], $0x80, $0x38;
	[tilespmem:$0x14C00] =	vst v63  }
0xc7: {  	s31 =	sadd.s32 $0x10A20, s26;
	s29 =	sadd.s32 $0x40, s28  }
0xc8: {  	[hbm4b:s29+s3] =	stream.linear.scatter [tilespmem:s31], [sflag:$0x3], $0x80, $0x38;
	[tilespmem:$0x14C00] =	vst v63  }
0xc9: {  	p1 =	seq.s32 s24, $0x63;
	s31 =	sadd.s32 $0x10AA8, s26;
	s29 =	sadd.s32 $0x50, s28  }
0xca: {  	[hbm4b:s29+s3] =	stream.linear.scatter [tilespmem:s31], [sflag:$0x3], $0x80, $0x38;
	[tilespmem:$0x14C00] =	vst v63  }
0xcb: {  	s1 =	sshll.u32 @!p1 s24, $0x8;
	s31 =	sadd.s32 $0x10B30, s26;
	s29 =	sadd.s32 $0x60, s28  }
0xcc: {  	[hbm4b:s29+s3] =	stream.linear.scatter [tilespmem:s31], [sflag:$0x3], $0x80, $0x38;
	[tilespmem:$0x14C00] =	vst v63  }
0xcd: {  	s1 =	sand.u32 @!p1 $0x3FFFFF00, s1;
	s26 =	sadd.s32 $0x10BB8, s26;
	s31 =	sadd.s32 $0x70, s28  }
0xce: {  	[hbm4b:s31+s3] =	stream.linear.scatter [tilespmem:s26], [sflag:$0x3], $0x80, $0x38;
	[tilespmem:$0x14C00] =	vst v63  }
0xcf: {  	s1 =	sadd.s32 @!p1 $0x6500, s1;
	s28 =	simm.s32 @!p1 $0xC800;
	s26 =	simm.s32 @!p1 $0x80  }
0xd0: {  	[tilespmem:s28], [sflag:$0x1] =	stream.indirect.gather @!p1 [hbm4b:s4+s26], $0x40, s1, s26, $0xb8;
	[tilespmem:$0x14C00] =	vst v63  }
0xd1: {  	_ =	swait.ge [sflag:s19], $0x2000  }
0xd2: {  	[sflag:s19] =	ssyncset.done $0x0  }
0xd3: {  	s1 =	simm.s32 @!p0 $0x4;
	[sflag:s19] =	ssyncadd.s32 $0xFFFFE000  }
0xd4: {  	_ =	swait.ge @!p0 [sflag:s1], $0x2000  }
0xd5: {  	[sflag:s1] =	ssyncset.done @!p0 $0x0  }
0xd6: {  	s25 =	sor.u32 $0x1, s25;
	s26 =	simm.s32 $0xE880;
	[sflag:s1] =	ssyncadd.s32 @!p0 $0xFFFFE000  }
0xd7: {  	s31 =	sshll.u32 s25, $0x6;
	v6 =	vld [tilespmem:s26+$0x40]  }
0xd8: {  	v16 =	vld [tilespmem:s31+$0x0]  }
0xd9: {  	v17 =	vld [tilespmem:s31+$0x3200]  }
0xda: {  	s28 =	simm.s32 $0x3;
	v11 =	vld [tilespmem:s26+$0xFFFFFF80]  }
0xdb: {  	v5 =	vmov s28;
	v9 =	vld [tilespmem:s31+$0x10]  }
0xdc: {  	s29 =	simm.s32 $0x2;
	s28 =	simm.s32 $0x0;
	v10 =	vand.u32 $0x7F, v5;
	v13 =	vld [tilespmem:s26+$0xFFFFFFC0];
	v8 =	vperm.xlane v6, v1  }
0xdd: {  	v22 =	vmov s29;
	v12 =	vmov s28;
	s28 =	simm.s32 $0x1;
	v15 =	vadd.s32 v0, v10;
	v14 =	vld [tilespmem:s26+$0x0]  }
0xde: {  	v20 =	vmov s28;
	v7 =	vld [tilespmem:s31+$0x20];
	v6 =	vmul.f32 v6, v16;
	v19 =	vmul.f32 v8, v17  }
0xdf: {  	v18 =	vand.u32 $0x7C, v12;
	v23 =	vand.u32 $0x7D, v20;
	v5 =	vld [tilespmem:s31+$0x30];
	v20 =	vperm.xlane v11, v1  }
0xe0: {  	v21 =	vadd.s32 v0, v18;
	v12 =	vld [tilespmem:s31+$0x3210];
	v11 =	vmul.f32 v11, v16;
	v19 =	vadd.f32 v19, v6  }
0xe1: {  	v24 =	vadd.s32 v0, v23;
	v25 =	vperm.xlane v13, v1;
	v8 =	vld [tilespmem:s31+$0x3220];
	v20 =	vmul.f32 v20, v17  }
0xe2: {  	v30 =	vand.u32 $0x7E, v22;
	v22 =	vperm.xlane v14, v1;
	v13 =	vmul.f32 v13, v16;
	v6 =	vld [tilespmem:s31+$0x3230];
	[tilespmem:v15+s20+$0x0] =	vst.idx.msk $0xffff, v19  }
0xe3: {  	v11 =	vadd.f32 v20, v11;
	v15 =	vadd.s32 v0, v30;
	v19 =	vmul.f32 v25, v17;
	v25 =	vld [tilespmem:s26+$0x50]  }
0xe4: {  	v14 =	vmul.f32 v14, v16;
	v22 =	vmul.f32 v22, v17  }
0xe5: {  	[tilespmem:v21+s20+$0x0] =	vst.idx.msk $0xffff, v11;
	v13 =	vadd.f32 v19, v13  }
0xe6: {  	v11 =	vadd.f32 v22, v14;
	v14 =	vld [tilespmem:s26+$0xFFFFFF90]  }
0xe7: {  	[tilespmem:v24+s20+$0x0] =	vst.idx.msk $0xffff, v13  }
0xe8: {  	v13 =	vld [tilespmem:s26+$0xFFFFFFD0];
	[tilespmem:v15+s20+$0x0] =	vst.idx.msk $0xffff, v11;
	v11 =	vperm.xlane v25, v1  }
0xe9: {  	v19 =	vadd.s32 v2, v10;
	v15 =	vld [tilespmem:s26+$0x10]  }
0xea: {  	v20 =	vmul.f32 v25, v9;
	v11 =	vmul.f32 v11, v12  }
0xeb: {  	v22 =	vperm.xlane v14, v1  }
0xec: {  	v21 =	vadd.s32 v2, v18;
	v14 =	vmul.f32 v14, v9;
	v11 =	vadd.f32 v11, v20  }
0xed: {  	v26 =	vadd.s32 v2, v30;
	v22 =	vmul.f32 v22, v12;
	v24 =	vperm.xlane v13, v1  }
0xee: {  	v20 =	vadd.s32 v2, v23;
	v25 =	vperm.xlane v15, v1;
	[tilespmem:v19+s20+$0x0] =	vst.idx.msk $0xffff, v11  }
0xef: {  	v14 =	vadd.f32 v22, v14;
	v11 =	vmul.f32 v13, v9;
	v13 =	vmul.f32 v24, v12;
	v31 =	vld [tilespmem:s26+$0x60]  }
0xf0: {  	v19 =	vmul.f32 v15, v9;
	v22 =	vmul.f32 v25, v12  }
0xf1: {  	s29 =	simm.s32 $0x4;
	v28 =	vadd.s32 v3, v10;
	s31 =	simm.s32 $0x5;
	[tilespmem:v21+s20+$0x0] =	vst.idx.msk $0xffff, v14;
	v13 =	vadd.f32 v13, v11  }
0xf2: {  	v24 =	vmov s29;
	v21 =	vmov s31;
	s31 =	simm.s32 $0x6;
	v33 =	vld [tilespmem:s26+$0xFFFFFFA0];
	v14 =	vadd.f32 v22, v19  }
0xf3: {  	v15 =	vadd.s32 v4, v18;
	v29 =	vmov s31;
	v25 =	vadd.s32 v3, v23;
	[tilespmem:v20+s20+$0x0] =	vst.idx.msk $0xffff, v13  }
0xf4: {  	v11 =	vand.u32 $0x7C, v24;
	v24 =	vadd.s32 v3, v18;
	[tilespmem:v26+s20+$0x0] =	vst.idx.msk $0xffff, v14;
	v27 =	vld [tilespmem:s26+$0xFFFFFFE0];
	v20 =	vperm.xlane v31, v1  }
0xf5: {  	v18 =	vadd.s32 v4, v23;
	v19 =	vadd.s32 v2, v11;
	v22 =	vadd.s32 v0, v11;
	v26 =	vld [tilespmem:s26+$0x20]  }
0xf6: {  	v13 =	vadd.s32 v4, v30;
	v34 =	vmul.f32 v31, v7;
	v35 =	vmul.f32 v20, v8  }
0xf7: {  	s28 =	simm.s32 $0xE980;
	v14 =	vand.u32 $0x7D, v21;
	v21 =	vadd.s32 v3, v30;
	v32 =	vperm.xlane v33, v1  }
0xf8: {  	s30 =	simm.s32 $0x8;
	v31 =	vld [tilespmem:s28+$0x40];
	v30 =	vmul.f32 v33, v7;
	v20 =	vadd.s32 v2, v14;
	v33 =	vadd.f32 v35, v34  }
.LBB2_7:
0xf9: {  	p0 =	slt.u32 s30, $0x7C;
	v34 =	vld [tilespmem:s28+$0xFFFFFF80];
	v35 =	vadd.s32 v0, v14;
	v36 =	vperm.xlane v27, v1;
	v27 =	vmul.f32 v27, v7  }
0xfa: {  	v23 =	vand.u32 $0x7E, v29;
	v37 =	vld [tilespmem:s28+$0xFFFFFFC0];
	v29 =	vmul.f32 v32, v8;
	v32 =	vperm.xlane v26, v1;
	[tilespmem:v28+s20+$0x0] =	vst.idx.msk $0xffff, v33  }
0xfb: {  	s1 =	sadd.s32 $0x3, s29;
	s29 =	smov.u32 s30;
	v28 =	vadd.s32 v0, v23;
	v26 =	vmul.f32 v26, v7;
	v33 =	vmul.f32 v36, v8;
	v36 =	vld [tilespmem:s26+$0x70]  }
0xfc: {  	v39 =	vmov s1;
	v38 =	vld [tilespmem:s28+$0x0];
	v29 =	vadd.f32 v29, v30;
	v30 =	vmul.f32 v32, v8  }
0xfd: {  	v39 =	vand.u32 $0x7F, v39;
	v32 =	vperm.xlane v31, v1;
	v27 =	vadd.f32 v33, v27  }
0xfe: {  	v40 =	vadd.s32 v0, v39;
	v33 =	vperm.xlane v34, v1;
	v34 =	vmul.f32 v34, v16  }
0xff: {  	v31 =	vmul.f32 v31, v16;
	v26 =	vadd.f32 v30, v26;
	v32 =	vmul.f32 v32, v17  }
0x100: {  	v30 =	vperm.xlane v37, v1;
	[tilespmem:v24+s20+$0x0] =	vst.idx.msk $0xffff, v29;
	v24 =	vperm.xlane v36, v1  }
0x101: {  	v41 =	vadd.s32 v4, v10;
	v10 =	vmovc v39;
	v29 =	vperm.xlane v38, v1;
	v31 =	vadd.f32 v32, v31;
	v32 =	vld [tilespmem:s26+$0xFFFFFFB0]  }
0x102: {  	[tilespmem:v25+s20+$0x0] =	vst.idx.msk $0xffff, v27;
	v25 =	vmul.f32 v36, v5;
	v24 =	vmul.f32 v24, v6  }
0x103: {  	v30 =	vmul.f32 v30, v17;
	v27 =	vmul.f32 v33, v17;
	[tilespmem:v40+s20+$0x0] =	vst.idx.msk $0xffff, v31;
	v31 =	vld [tilespmem:s26+$0xFFFFFFF0]  }
0x104: {  	v33 =	vmul.f32 v37, v16;
	v29 =	vmul.f32 v29, v17;
	v36 =	vld [tilespmem:s28+$0x50];
	v24 =	vadd.f32 v24, v25  }
0x105: {  	v25 =	vadd.f32 v27, v34;
	v27 =	vmul.f32 v38, v16;
	[tilespmem:v21+s20+$0x0] =	vst.idx.msk $0xffff, v26  }
0x106: {  	v21 =	vadd.f32 v30, v33;
	v26 =	vperm.xlane v32, v1;
	v30 =	vld [tilespmem:s26+$0x30];
	[tilespmem:v41+s20+$0x0] =	vst.idx.msk $0xffff, v24;
	s26 =	smov.u32 s28  }
0x107: {  	v24 =	vmul.f32 v32, v5;
	[tilespmem:v22+s20+$0x0] =	vst.idx.msk $0xffff, v25;
	v22 =	vadd.f32 v29, v27  }
0x108: {  	v25 =	vld [tilespmem:s28+$0xFFFFFF90];
	[tilespmem:v35+s20+$0x0] =	vst.idx.msk $0xffff, v21;
	v21 =	vmul.f32 v26, v6;
	v26 =	vperm.xlane v31, v1  }
0x109: {  	v27 =	vld [tilespmem:s28+$0xFFFFFFD0];
	[tilespmem:v28+s20+$0x0] =	vst.idx.msk $0xffff, v22;
	v22 =	vperm.xlane v36, v1;
	v28 =	vmul.f32 v31, v5  }
0x10a: {  	v31 =	vadd.s32 v2, v10;
	v29 =	vld [tilespmem:s28+$0x10];
	v21 =	vadd.f32 v21, v24;
	v24 =	vmul.f32 v26, v6  }
0x10b: {  	v32 =	vmul.f32 v36, v9;
	v26 =	vadd.s32 v2, v23;
	v22 =	vmul.f32 v22, v12  }
0x10c: {  	v24 =	vadd.f32 v24, v28;
	v28 =	vperm.xlane v30, v1;
	v30 =	vmul.f32 v30, v5  }
0x10d: {  	v33 =	vperm.xlane v25, v1;
	v25 =	vmul.f32 v25, v9;
	v22 =	vadd.f32 v22, v32  }
0x10e: {  	v32 =	vperm.xlane v27, v1;
	v27 =	vmul.f32 v27, v9;
	[tilespmem:v15+s20+$0x0] =	vst.idx.msk $0xffff, v21  }
0x10f: {  	v15 =	vmul.f32 v33, v12;
	v21 =	vperm.xlane v29, v1;
	[tilespmem:v31+s20+$0x0] =	vst.idx.msk $0xffff, v22  }
0x110: {  	v29 =	vmul.f32 v29, v9;
	v22 =	vmul.f32 v32, v12;
	v31 =	vld [tilespmem:s28+$0x60];
	[tilespmem:v18+s20+$0x0] =	vst.idx.msk $0xffff, v24  }
0x111: {  	v24 =	vmul.f32 v28, v6;
	v18 =	vadd.f32 v15, v25;
	v21 =	vmul.f32 v21, v12  }
0x112: {  	v25 =	vmov s30;
	v15 =	vadd.s32 v4, v11;
	v22 =	vadd.f32 v22, v27  }
0x113: {  	s1 =	sadd.s32 $0x1, s30;
	v25 =	vand.u32 $0x7C, v25;
	[tilespmem:v19+s20+$0x0] =	vst.idx.msk $0xffff, v18;
	v18 =	vadd.f32 v21, v29;
	v21 =	vadd.f32 v24, v30  }
0x114: {  	v28 =	vmov s1;
	s1 =	sadd.s32 $0x2, s30;
	v19 =	vadd.s32 v2, v25;
	v24 =	vadd.s32 v3, v11;
	v11 =	vmovc v25;
	v30 =	vld [tilespmem:s28+$0xFFFFFFA0];
	[tilespmem:v20+s20+$0x0] =	vst.idx.msk $0xffff, v22  }
.Ltmp4:
0x115: {  	v29 =	vmov s1;
	v22 =	vadd.s32 v0, v11;
	v27 =	vld [tilespmem:s28+$0xFFFFFFE0];
	[tilespmem:v26+s20+$0x0] =	vst.idx.msk $0xffff, v18;
	v20 =	vperm.xlane v31, v1;
	(pc) =	sbr.rel @p0 .LBB2_7-.Ltmp4, $4  }
0x116: {  	v32 =	vand.u32 $0x7D, v28;
	v28 =	vadd.s32 v3, v10;
	v18 =	vadd.s32 v4, v14;
	v26 =	vld [tilespmem:s28+$0x20];
	[tilespmem:v13+s20+$0x0] =	vst.idx.msk $0xffff, v21  }
0x117: {  	v33 =	vmul.f32 v31, v7;
	v13 =	vadd.s32 v4, v23;
	v34 =	vmul.f32 v20, v8  }
0x118: {  	v25 =	vadd.s32 v3, v14;
	v14 =	vmovc v32;
	v21 =	vadd.s32 v3, v23;
	s28 =	sadd.s32 $0x100, s28;
	v20 =	vadd.s32 v2, v32  }
0x119: {  	s30 =	sadd.s32 $0x4, s30;
	v31 =	vld [tilespmem:s28+$0x40];
	v32 =	vperm.xlane v30, v1;
	v30 =	vmul.f32 v30, v7;
	v33 =	vadd.f32 v34, v33  }
0x11a: {  	v23 =	vld [tilespmem:s28+$0xFFFFFF80]  }
0x11b: {  	v35 =	vld [tilespmem:s28+$0xFFFFFFC0]  }
0x11c: {  	s1 =	sadd.s32 $0x3, s29;
	v37 =	vld [tilespmem:s28+$0x0]  }
0x11d: {  	v49 =	vadd.s32 v0, v14;
	v34 =	vmov s1  }
0x11e: {  	v34 =	vand.u32 $0x7F, v34;
	v36 =	vperm.xlane v31, v1;
	v48 =	vmul.f32 v31, v16  }
0x11f: {  	v38 =	vadd.s32 v0, v34;
	v39 =	vperm.xlane v23, v1;
	v23 =	vmul.f32 v23, v16  }
0x120: {  	v29 =	vand.u32 $0x7E, v29;
	v40 =	vperm.xlane v35, v1;
	v36 =	vmul.f32 v36, v17  }
0x121: {  	v52 =	vadd.s32 v0, v29;
	v50 =	vperm.xlane v37, v1;
	v51 =	vmul.f32 v39, v17  }
0x122: {  	v35 =	vmul.f32 v35, v16;
	v40 =	vmul.f32 v40, v17;
	v31 =	vadd.f32 v36, v48  }
0x123: {  	v55 =	vmul.f32 v37, v16;
	v53 =	vmul.f32 v50, v17;
	v23 =	vadd.f32 v51, v23  }
0x124: {  	v56 =	vadd.f32 v40, v35;
	[tilespmem:v38+s20+$0x0] =	vst.idx.msk $0xffff, v31  }
0x125: {  	v57 =	vperm.xlane v27, v1;
	v16 =	vadd.f32 v53, v55;
	v54 =	vld [tilespmem:s28+$0x50];
	[tilespmem:v22+s20+$0x0] =	vst.idx.msk $0xffff, v23  }
0x126: {  	v59 =	vmul.f32 v27, v7;
	v10 =	vadd.s32 v4, v10;
	[tilespmem:v49+s20+$0x0] =	vst.idx.msk $0xffff, v56;
	v23 =	vld [tilespmem:s28+$0xFFFFFF90]  }
0x127: {  	v61 =	vperm.xlane v26, v1;
	v62 =	vmul.f32 v57, v8;
	[tilespmem:v52+s20+$0x0] =	vst.idx.msk $0xffff, v16;
	v63 =	vld [tilespmem:s28+$0xFFFFFFD0]  }
0x128: {  	[tilespmem:v28+s20+$0x0] =	vst.idx.msk $0xffff, v33;
	v60 =	vmul.f32 v32, v8;
	v45 =	vadd.s32 v2, v29;
	v38 =	vld [tilespmem:s28+$0x10]  }
0x129: {  	v33 =	vadd.s32 v3, v11;
	v27 =	vmul.f32 v61, v8;
	v17 =	vadd.f32 v62, v59  }
0x12a: {  	v39 =	vadd.s32 v2, v34;
	v37 =	vperm.xlane v54, v1;
	v40 =	vmul.f32 v54, v9  }
0x12b: {  	v58 =	vld [tilespmem:s26+$0x70];
	v22 =	vadd.f32 v60, v30;
	v43 =	vperm.xlane v23, v1;
	v23 =	vmul.f32 v23, v9  }
0x12c: {  	[tilespmem:v25+s20+$0x0] =	vst.idx.msk $0xffff, v17;
	v44 =	vperm.xlane v63, v1;
	v41 =	vmul.f32 v37, v12  }
0x12d: {  	[tilespmem:v24+s20+$0x0] =	vst.idx.msk $0xffff, v22;
	v46 =	vperm.xlane v38, v1;
	v17 =	vmul.f32 v43, v12  }
0x12e: {  	v53 =	vld [tilespmem:s26+$0xFFFFFFF0];
	v32 =	vmul.f32 v63, v9;
	v48 =	vmul.f32 v44, v12;
	v22 =	vadd.f32 v41, v40  }
0x12f: {  	v47 =	vld [tilespmem:s26+$0xFFFFFFB0];
	v49 =	vmul.f32 v38, v9;
	v51 =	vmul.f32 v46, v12;
	v17 =	vadd.f32 v17, v23  }
0x130: {  	v42 =	vperm.xlane v58, v1;
	[tilespmem:v39+s20+$0x0] =	vst.idx.msk $0xffff, v22;
	v22 =	vadd.f32 v48, v32  }
0x131: {  	v36 =	vmul.f32 v26, v7;
	v9 =	vadd.f32 v51, v49;
	v50 =	vld [tilespmem:s28+$0x60];
	[tilespmem:v19+s20+$0x0] =	vst.idx.msk $0xffff, v17  }
0x132: {  	v26 =	vmul.f32 v42, v6;
	v52 =	vmul.f32 v58, v5;
	v55 =	vld [tilespmem:s28+$0xFFFFFFA0];
	[tilespmem:v20+s20+$0x0] =	vst.idx.msk $0xffff, v22  }
0x133: {  	v35 =	vadd.s32 v3, v14;
	v62 =	vperm.xlane v53, v1;
	[tilespmem:v45+s20+$0x0] =	vst.idx.msk $0xffff, v9;
	v57 =	vld [tilespmem:s28+$0xFFFFFFE0]  }
0x134: {  	v56 =	vadd.f32 v26, v52;
	v58 =	vperm.xlane v47, v1;
	v61 =	vmul.f32 v47, v5;
	v60 =	vld [tilespmem:s28+$0x20]  }
0x135: {  	v54 =	vadd.f32 v27, v36;
	v44 =	vmul.f32 v53, v5;
	v46 =	vmul.f32 v62, v6  }
0x136: {  	v63 =	vadd.s32 v3, v34;
	v59 =	vperm.xlane v50, v1;
	v32 =	vmul.f32 v50, v7  }
0x137: {  	[tilespmem:v21+s20+$0x0] =	vst.idx.msk $0xffff, v54;
	v36 =	vperm.xlane v55, v1;
	v16 =	vmul.f32 v55, v7  }
0x138: {  	[tilespmem:v10+s20+$0x0] =	vst.idx.msk $0xffff, v56;
	v38 =	vld [tilespmem:s26+$0x30];
	v12 =	vmul.f32 v59, v8;
	v37 =	vperm.xlane v57, v1  }
0x139: {  	v39 =	vadd.s32 v3, v29;
	v40 =	vperm.xlane v60, v1;
	v25 =	vmul.f32 v36, v8  }
0x13a: {  	v19 =	vmul.f32 v57, v7;
	v10 =	vadd.f32 v12, v32;
	v41 =	vmul.f32 v37, v8  }
0x13b: {  	v7 =	vmul.f32 v60, v7;
	v43 =	vmul.f32 v40, v8;
	v42 =	vadd.f32 v25, v16  }
0x13c: {  	v9 =	vmul.f32 v58, v6;
	[tilespmem:v63+s20+$0x0] =	vst.idx.msk $0xffff, v10;
	v10 =	vadd.f32 v41, v19  }
0x13d: {  	v48 =	vperm.xlane v38, v1;
	v7 =	vadd.f32 v43, v7;
	v45 =	vld [tilespmem:s28+$0x70];
	[tilespmem:v33+s20+$0x0] =	vst.idx.msk $0xffff, v42  }
0x13e: {  	v49 =	vadd.f32 v46, v44;
	v47 =	vadd.f32 v9, v61;
	v12 =	vld [tilespmem:s28+$0xFFFFFFB0];
	[tilespmem:v35+s20+$0x0] =	vst.idx.msk $0xffff, v10  }
0x13f: {  	v51 =	vmul.f32 v48, v6;
	[tilespmem:v39+s20+$0x0] =	vst.idx.msk $0xffff, v7;
	v7 =	vmul.f32 v38, v5;
	v50 =	vld [tilespmem:s28+$0xFFFFFFF0]  }
0x140: {  	[tilespmem:v18+s20+$0x0] =	vst.idx.msk $0xffff, v49;
	v52 =	vld [tilespmem:s28+$0x30]  }
0x141: {  	v53 =	vadd.s32 v4, v11;
	[tilespmem:v15+s20+$0x0] =	vst.idx.msk $0xffff, v47;
	v7 =	vadd.f32 v51, v7  }
0x142: {  	v57 =	vadd.s32 v4, v34;
	v54 =	vperm.xlane v45, v1;
	v56 =	vmul.f32 v45, v5  }
0x143: {  	[tilespmem:v13+s20+$0x0] =	vst.idx.msk $0xffff, v7;
	v58 =	vperm.xlane v12, v1;
	v7 =	vmul.f32 v12, v5  }
0x144: {  	v55 =	vadd.s32 v4, v14;
	v11 =	vmul.f32 v54, v6;
	v59 =	vperm.xlane v50, v1  }
0x145: {  	v60 =	vadd.s32 v4, v29;
	v61 =	vperm.xlane v52, v1;
	v17 =	vmul.f32 v58, v6  }
0x146: {  	v62 =	vmul.f32 v50, v5;
	v11 =	vadd.f32 v11, v56;
	v12 =	vmul.f32 v59, v6  }
0x147: {  	v5 =	vmul.f32 v52, v5;
	v6 =	vmul.f32 v61, v6;
	v7 =	vadd.f32 v17, v7  }
0x148: {  	s26 =	sshll.u32 s25, $0x12;
	[tilespmem:v57+s20+$0x0] =	vst.idx.msk $0xffff, v11;
	v63 =	vadd.f32 v12, v62  }
0x149: {  	s1 =	sor.u32 s8, s26;
	v5 =	vadd.f32 v6, v5;
	[tilespmem:v53+s20+$0x0] =	vst.idx.msk $0xffff, v7  }
0x14a: {  	s1 =	sshrl.u32 s1, $0x3;
	[tilespmem:v55+s20+$0x0] =	vst.idx.msk $0xffff, v63  }
0x14b: {  	s31 =	simm.s32 $0x12A00;
	s1 =	sadd.s32 s2, s1;
	[tilespmem:v60+s20+$0x0] =	vst.idx.msk $0xffff, v5  }
0x14c: {  	[hbm4b:s1+s3] =	stream.linear.scatter [tilespmem:s31], [sflag:$0x4], $0x80, $0x38;
	[tilespmem:$0x14C00] =	vst v63  }
0x14d: {  	s26 =	simm.s32 $0x12A88;
	s31 =	sadd.s32 $0x10, s1  }
0x14e: {  	[hbm4b:s31+s3] =	stream.linear.scatter [tilespmem:s26], [sflag:$0x4], $0x80, $0x38;
	[tilespmem:$0x14C00] =	vst v63  }
0x14f: {  	s26 =	simm.s32 $0x12B10;
	s31 =	sadd.s32 $0x20, s1  }
0x150: {  	[hbm4b:s31+s3] =	stream.linear.scatter [tilespmem:s26], [sflag:$0x4], $0x80, $0x38;
	[tilespmem:$0x14C00] =	vst v63  }
0x151: {  	s26 =	simm.s32 $0x12B98;
	s31 =	sadd.s32 $0x30, s1  }
0x152: {  	[hbm4b:s31+s3] =	stream.linear.scatter [tilespmem:s26], [sflag:$0x4], $0x80, $0x38;
	[tilespmem:$0x14C00] =	vst v63  }
0x153: {  	s26 =	simm.s32 $0x12C20;
	s31 =	sadd.s32 $0x40, s1  }
0x154: {  	[hbm4b:s31+s3] =	stream.linear.scatter [tilespmem:s26], [sflag:$0x4], $0x80, $0x38;
	[tilespmem:$0x14C00] =	vst v63  }
0x155: {  	s29 =	simm.s32 $0x12DB8;
	s26 =	simm.s32 $0x12CA8;
	s31 =	sadd.s32 $0x50, s1  }
0x156: {  	[hbm4b:s31+s3] =	stream.linear.scatter [tilespmem:s26], [sflag:$0x4], $0x80, $0x38;
	[tilespmem:$0x14C00] =	vst v63  }
0x157: {  	s25 =	simm.s32 $0x440;
	s26 =	simm.s32 $0x12D30;
	s31 =	sadd.s32 $0x60, s1  }
0x158: {  	[hbm4b:s31+s3] =	stream.linear.scatter [tilespmem:s26], [sflag:$0x4], $0x80, $0x38;
	[tilespmem:$0x14C00] =	vst v63  }
0x159: {  	s30 =	sadd.s32 $0x70, s1;
	s28 =	simm.s32 $0x2200;
	s26 =	sadd.s32 $0x1000, s1  }
.LBB2_9:
0x15a: {  	[hbm4b:s30+s3] =	stream.linear.scatter [tilespmem:s29], [sflag:$0x4], $0x80, $0x38;
	[tilespmem:$0x14C00] =	vst v63  }
0x15b: {  	s1 =	smov.u32 s25;
	s25 =	smov.u32 s28  }
0x15c: {  	s31 =	sadd.s32 $0x1100, s28;
	s25 =	sshra.s32 s25, $0x2;
	s29 =	sadd.s32 $0x12A00, s1  }
0x15d: {  	[hbm4b:s26+s3] =	stream.linear.scatter [tilespmem:s29], [sflag:$0x4], $0x80, $0x38;
	[tilespmem:$0x14C00] =	vst v63  }
0x15e: {  	p0 =	sne.s32 s28, $0x7700;
	s28 =	sadd.s32 $0x12A88, s1;
	s29 =	sadd.s32 $0x10, s26  }
0x15f: {  	[hbm4b:s29+s3] =	stream.linear.scatter [tilespmem:s28], [sflag:$0x4], $0x80, $0x38;
	[tilespmem:$0x14C00] =	vst v63  }
0x160: {  	s28 =	sadd.s32 $0x12B10, s1;
	s29 =	sadd.s32 $0x20, s26  }
0x161: {  	[hbm4b:s29+s3] =	stream.linear.scatter [tilespmem:s28], [sflag:$0x4], $0x80, $0x38;
	[tilespmem:$0x14C00] =	vst v63  }
0x162: {  	s28 =	sadd.s32 $0x12B98, s1;
	s29 =	sadd.s32 $0x30, s26  }
0x163: {  	[hbm4b:s29+s3] =	stream.linear.scatter [tilespmem:s28], [sflag:$0x4], $0x80, $0x38;
	[tilespmem:$0x14C00] =	vst v63  }
0x164: {  	s28 =	sadd.s32 $0x12C20, s1;
	s29 =	sadd.s32 $0x40, s26  }
0x165: {  	[hbm4b:s29+s3] =	stream.linear.scatter [tilespmem:s28], [sflag:$0x4], $0x80, $0x38;
	[tilespmem:$0x14C00] =	vst v63  }
.Ltmp5:
0x166: {  	s28 =	sadd.s32 $0x12CA8, s1;
	s29 =	sadd.s32 $0x50, s26;
	(pc) =	sbr.rel @p0 .LBB2_9-.Ltmp5, $4  }
0x167: {  	[hbm4b:s29+s3] =	stream.linear.scatter [tilespmem:s28], [sflag:$0x4], $0x80, $0x38;
	[tilespmem:$0x14C00] =	vst v63  }
0x168: {  	s30 =	sadd.s32 $0x70, s26;
	s28 =	sadd.s32 $0x12D30, s1;
	s29 =	sadd.s32 $0x60, s26  }
0x169: {  	[hbm4b:s29+s3] =	stream.linear.scatter [tilespmem:s28], [sflag:$0x4], $0x80, $0x38;
	[tilespmem:$0x14C00] =	vst v63  }
0x16a: {  	s26 =	sadd.s32 $0x1000, s26;
	s29 =	sadd.s32 $0x12DB8, s1;
	s28 =	smov.u32 s31  }
0x16b: {  	[hbm4b:s30+s3] =	stream.linear.scatter [tilespmem:s29], [sflag:$0x4], $0x80, $0x38;
	[tilespmem:$0x14C00] =	vst v63  }
0x16c: {  	s1 =	sadd.s32 $0x12A00, s25  }
0x16d: {  	[hbm4b:s26+s3] =	stream.linear.scatter [tilespmem:s1], [sflag:$0x4], $0x80, $0x38;
	[tilespmem:$0x14C00] =	vst v63  }
0x16e: {  	s31 =	sadd.s32 $0x12A88, s25;
	s28 =	sadd.s32 $0x10, s26  }
0x16f: {  	[hbm4b:s28+s3] =	stream.linear.scatter [tilespmem:s31], [sflag:$0x4], $0x80, $0x38;
	[tilespmem:$0x14C00] =	vst v63  }
0x170: {  	s29 =	sadd.s32 $0x12B10, s25;
	s30 =	sadd.s32 $0x20, s26  }
0x171: {  	[hbm4b:s30+s3] =	stream.linear.scatter [tilespmem:s29], [sflag:$0x4], $0x80, $0x38;
	[tilespmem:$0x14C00] =	vst v63  }
0x172: {  	s31 =	sadd.s32 $0x12B98, s25;
	s29 =	sadd.s32 $0x30, s26  }
0x173: {  	[hbm4b:s29+s3] =	stream.linear.scatter [tilespmem:s31], [sflag:$0x4], $0x80, $0x38;
	[tilespmem:$0x14C00] =	vst v63  }
0x174: {  	s30 =	sadd.s32 $0x12C20, s25;
	s31 =	sadd.s32 $0x40, s26  }
0x175: {  	[hbm4b:s31+s3] =	stream.linear.scatter [tilespmem:s30], [sflag:$0x4], $0x80, $0x38;
	[tilespmem:$0x14C00] =	vst v63  }
0x176: {  	s29 =	sadd.s32 $0x12CA8, s25;
	s30 =	sadd.s32 $0x50, s26  }
0x177: {  	[hbm4b:s30+s3] =	stream.linear.scatter [tilespmem:s29], [sflag:$0x4], $0x80, $0x38;
	[tilespmem:$0x14C00] =	vst v63  }
.Ltmp6:
0x178: {  	_ = 	snop;
	(pc) =	sbr.rel @p1 .LBB2_12-.Ltmp6, $4  }
0x179: {  	s31 =	sadd.s32 $0x12D30, s25;
	s29 =	sadd.s32 $0x60, s26  }
0x17a: {  	[hbm4b:s29+s3] =	stream.linear.scatter [tilespmem:s31], [sflag:$0x4], $0x80, $0x38;
	[tilespmem:$0x14C00] =	vst v63  }
0x17b: {  	s30 =	sadd.s32 $0x12DB8, s25;
	s31 =	sadd.s32 $0x70, s26  }
0x17c: {  	[hbm4b:s31+s3] =	stream.linear.scatter [tilespmem:s30], [sflag:$0x4], $0x80, $0x38;
	[tilespmem:$0x14C00] =	vst v63  }
.Ltmp7:
0x17d: {  	(pc) =	sbr.rel .LBB2_2-.Ltmp7, $4  }
0x17e: {  	s1 =	sshll.u32 s24, $0x8  }
0x17f: {  	s1 =	sand.u32 $0x3FFFFF00, s1  }
0x180: {  	s24 =	sadd.s32 $0x1, s24;
	s1 =	sadd.s32 $0x6580, s1  }
0x181: {  	[tilespmem:s16], [sflag:$0x2] =	stream.indirect.gather [hbm4b:s4+s13], $0x40, s1, s13, $0xb8;
	[tilespmem:$0x14C00] =	vst v63  }
.LBB2_13:
0x182: {  	_ =	sfence.sel $0x180000  }
0x183: {  	[bflag:$0x0] =	sbarrier.arrive $0xFFFF  }
0x184: {  	_ =	strace $0x90000047  }
0x185: {  	[bflag:$0x2] =	sbarrier.arrive $0xFFFF  }
0x186: {  	p0 =	sne.s32 s0, $0x0;
	s0 =	rddreg [dreg:$0x2]  }
0x187: {  	s0 =	sadd.s32 @!p0 $0x100000, s0  }
0x188: {  	[sflag:s0] =	ssyncadd.tile.s32 @!p0 $0x1;
	_ =	shalt  }
.Lfunc_end2:
_tile_overlayer_lowered:
.L_overlay_start_2:
0x189: {  	(tag) =	ssettag $0x2  }
0x18a: {  	s0 =	rddreg [dreg:$0x0];
	s2 =	stileid.u32  }
0x18b: {  	s1 =	rddreg [dreg:$0x1];
	p0 =	sne.s32 s2, $0x0  }
0x18c: {  	s3 =	rddreg [dreg:$0x2];
	[bflag:$0x3] =	sbarrier.arrive $0xFFFF;
	s2 =	simm.s32 @!p0 $0x1C05  }
0x18d: {  	[timem:s3], [sflag:s2] =	dma.local @!p0 [hbm:s0], s1  }
0x18e: {  	s0 =	simm.s32 @!p0 $0x5  }
0x18f: {  	_ =	swait.ge @!p0 [sflag:s0], s1  }
0x190: {  	s1 =	ssub.s32 @!p0 $0x0, s1;
	[sflag:s0] =	ssyncset.done @!p0 $0x0  }
0x191: {  	[sflag:s0] =	ssyncadd.s32 @!p0 s1  }
0x192: {  	[bflag:$0x3] =	sbarrier.arrive $0xFFFF  }
0x193: {  	_ =	shalt  }

</sc_bundles>
